<compile_context>
chip_gen: v7x
topology: tpu7x:2x2x1
jax: 0.10.2.dev20260603
libtpu: 0.0.44.dev20260713+nightly
codegen_flags: <defaults>
</compile_context>

<pallas_src>
import functools

import jax
import jax.numpy as jnp
from jax import lax
from jax.experimental import pallas as pl
from jax.experimental.pallas import tpu as pltpu
from jax.experimental.pallas import tpu_sc as plsc

VOCAB = 1000000
DIM = 64
B = 16384

NC = 2
NS = 16
L = 16
NW = NC * NS
B_PER_W = B // NW
GROUPS = B_PER_W // L


def _sc_body(x_hbm, w_hbm, table_hbm, out_hbm, idx_v, rows_v, w_v, tr_v,
             out_v, sem):
    wid = lax.axis_index("s") * NC + lax.axis_index("c")
    base = wid * B_PER_W

    pltpu.sync_copy(x_hbm.at[pl.ds(base, B_PER_W)], idx_v)
    pltpu.sync_copy(w_hbm, w_v)
    pltpu.async_copy(table_hbm.at[idx_v], rows_v, sem).wait()

    lanes = lax.iota(jnp.int32, L)
    wc = [w_v[pl.ds(c * L, L)] for c in range(DIM // L)]

    def group(g, carry):
        rbase = g * L
        for j in range(L):
            row = rbase + j
            t = rows_v[row, pl.ds(0, L)] * wc[0]
            for c in range(1, DIM // L):
                t = t + rows_v[row, pl.ds(c * L, L)] * wc[c]
            plsc.store_scatter(tr_v, [lanes * (L + 1) + j], t)
        acc = tr_v[pl.ds(0, L)]
        for r in range(1, L):
            acc = acc + tr_v[pl.ds(r * (L + 1), L)]
        out_v[pl.ds(rbase, L)] = acc
        return carry

    lax.fori_loop(0, GROUPS, group, 0)
    pltpu.sync_copy(out_v, out_hbm.at[pl.ds(base, B_PER_W)])


@jax.jit
def _run(x, w, table):
    mesh = plsc.VectorSubcoreMesh(core_axis_name="c", subcore_axis_name="s")
    f = pl.kernel(
        _sc_body,
        out_type=jax.ShapeDtypeStruct((B,), jnp.float32),
        mesh=mesh,
        compiler_params=pltpu.CompilerParams(needs_layout_passes=False,
                                             use_tc_tiling_on_sc=False),
        scratch_types=[
            pltpu.VMEM((B_PER_W,), jnp.int32),
            pltpu.VMEM((B_PER_W, DIM), jnp.float32),
            pltpu.VMEM((DIM,), jnp.float32),
            pltpu.VMEM((L * (L + 1),), jnp.float32),
            pltpu.VMEM((B_PER_W,), jnp.float32),
            pltpu.SemaphoreType.DMA,
        ],
    )
    return f(x, w, table)


def kernel(x, offsets, table, W, b):
    del offsets
    s = _run(x.astype(jnp.int32), W.reshape(DIM), table)
    return s[:, None] + b[None, :]

# --- scband reference (transcript-rebuilt; emitter-appended) ---
"""Pipeline reference for scband-linear-model-395136991937 (READ-ONLY COPY).

The authoritative reference and input builder live on the scoring server;
editing this copy changes nothing except your own understanding.
"""

import jax, jax.numpy as jnp
import numpy as np

VOCAB = 1000000
DIM = 64
OUT = 1
B = 16384


def setup_inputs(seed: int = 0) -> dict:
    key = jax.random.key(seed)
    k1, k2, k3 = jax.random.split(key, 3)
    x = jax.random.randint(k1, (B,), 0, VOCAB)
    offsets = jnp.arange(B)
    table = jax.random.normal(k2, (VOCAB, DIM), dtype=jnp.float32)
    W = jax.random.normal(k3, (OUT, DIM), dtype=jnp.float32) * 0.05
    b = jnp.zeros((OUT,), dtype=jnp.float32)
    return {"x": x, "offsets": offsets, "table": table, "W": W, "b": b}


def reference(x, offsets, table, W, b):
    # nn.EmbeddingBag(mode='mean') with 1-D input + offsets
    total = x.shape[0]
    nbags = offsets.shape[0]
    # segment id for each index position: cumsum of markers placed at bag starts
    markers = jnp.zeros((total,), dtype=jnp.int32).at[offsets].add(1)
    seg = jnp.cumsum(markers) - 1
    emb = jnp.take(table, x, axis=0)                      # gather [total, DIM]
    sums = jax.ops.segment_sum(emb, seg, num_segments=nbags)
    counts = jax.ops.segment_sum(jnp.ones((total,), jnp.float32), seg, num_segments=nbags)
    mean = sums / jnp.maximum(counts, 1.0)[:, None]       # EmbeddingBag mean
    out = mean @ W.T + b                                  # nn.Linear
    return out

if __name__ == "__main__":
    import jax
    _d = setup_inputs()
    print(jax.jit(kernel)(*tuple(_d.values())))

</pallas_src>

<mosaic_0001>
#map = affine_map<(d0, d1) -> (0)>
#map1 = affine_map<(d0, d1) -> (0, 0)>
module attributes {stable_mosaic.version = 14 : i64} {
  func.func @_sc_body(%arg0: i32, %arg1: i32, %arg2: memref<16384xi32, #tpu.memory_space<hbm>>, %arg3: memref<64xf32, #tpu.memory_space<hbm>>, %arg4: memref<1000000x64xf32, #tpu.memory_space<hbm>>, %arg5: memref<16384xf32, #tpu.memory_space<hbm>>, %arg6: memref<512xi32, #tpu.memory_space<vmem>>, %arg7: memref<512x64xf32, #tpu.memory_space<vmem>>, %arg8: memref<64xf32, #tpu.memory_space<vmem>>, %arg9: memref<272xf32, #tpu.memory_space<vmem>>, %arg10: memref<512xf32, #tpu.memory_space<vmem>>, %arg11: memref<!tpu.dma_semaphore, #tpu.memory_space<semaphore_mem>>) attributes {dimension_semantics = [#tpu.dimension_semantics<core_parallel>, #tpu.dimension_semantics<subcore_parallel>], iteration_bounds = array<i64: 2, 16>, scalar_prefetch = 0 : i64, scratch_operands = 6 : i64, tpu.core_type = #tpu.core_type<sc_vector_subcore>, window_params = [{transform_indices = #map}, {transform_indices = #map}, {transform_indices = #map1}, {transform_indices = #map}]} {
    %mul3A = arith.constant 2 : i32
    %mul3A_0 = arith.muli %arg1, %mul3A : i32
    %add3A = arith.addi %mul3A_0, %arg0 : i32
    %mul3A_1 = arith.constant 512 : i32
    %mul3A_2 = arith.muli %add3A, %mul3A_1 : i32
    "tpu.region"() ({
      %run_scoped3A = tpu.sem_alloc : memref<!tpu.dma_semaphore, #tpu.memory_space<semaphore_mem>>
      %dma_start3A_19 = tpu.memref_slice %arg2[%mul3A_2] : memref<16384xi32, #tpu.memory_space<hbm>> -> memref<512xi32, #tpu.memory_space<hbm>>
      %dma_start3A_20 = tpu.memref_slice %arg2[%mul3A_2] : memref<16384xi32, #tpu.memory_space<hbm>> -> memref<512xi32, #tpu.memory_space<hbm>>
      tpu.enqueue_dma source(%dma_start3A_20 : memref<512xi32, #tpu.memory_space<hbm>>) target(%arg6 : memref<512xi32, #tpu.memory_space<vmem>>) target_semaphore(%run_scoped3A : memref<!tpu.dma_semaphore, #tpu.memory_space<semaphore_mem>>)
      %dma_wait3A_21 = tpu.memref_slice %arg2[%mul3A_2] : memref<16384xi32, #tpu.memory_space<hbm>> -> memref<512xi32, #tpu.memory_space<hbm>>
      %dma_wait3A_22 = tpu.memref_slice %arg2[%mul3A_2] : memref<16384xi32, #tpu.memory_space<hbm>> -> memref<512xi32, #tpu.memory_space<hbm>>
      tpu.wait_dma2 semaphore(%run_scoped3A : memref<!tpu.dma_semaphore, #tpu.memory_space<semaphore_mem>>) src(%dma_wait3A_22 : memref<512xi32, #tpu.memory_space<hbm>>) dst(%arg6 : memref<512xi32, #tpu.memory_space<vmem>>)
      tpu.yield
    }) : () -> ()
    "tpu.region"() ({
      %run_scoped3A = tpu.sem_alloc : memref<!tpu.dma_semaphore, #tpu.memory_space<semaphore_mem>>
      tpu.enqueue_dma source(%arg3 : memref<64xf32, #tpu.memory_space<hbm>>) target(%arg8 : memref<64xf32, #tpu.memory_space<vmem>>) target_semaphore(%run_scoped3A : memref<!tpu.dma_semaphore, #tpu.memory_space<semaphore_mem>>)
      tpu.wait_dma2 semaphore(%run_scoped3A : memref<!tpu.dma_semaphore, #tpu.memory_space<semaphore_mem>>) src(%arg3 : memref<64xf32, #tpu.memory_space<hbm>>) dst(%arg8 : memref<64xf32, #tpu.memory_space<vmem>>)
      tpu.yield
    }) : () -> ()
    %dma_start3A = arith.constant 0 : i32
    %dma_start3A_3 = arith.constant 0 : i32
    %dma_start3A_4 = tpu.memref_slice %arg4[%dma_start3A, %dma_start3A_3] : memref<1000000x64xf32, #tpu.memory_space<hbm>> -> memref<1000000x64xf32, #tpu.memory_space<hbm>>
    tpu.enqueue_indirect_dma source(%dma_start3A_4 : memref<1000000x64xf32, #tpu.memory_space<hbm>>) target(%arg7 : memref<512x64xf32, #tpu.memory_space<vmem>>) offsets(%arg6 : memref<512xi32, #tpu.memory_space<vmem>>) semaphore(%arg11 : memref<!tpu.dma_semaphore, #tpu.memory_space<semaphore_mem>>)
    %dma_wait3A = arith.constant 0 : i32
    %dma_wait3A_5 = arith.constant 0 : i32
    %dma_wait3A_6 = tpu.memref_slice %arg4[%dma_wait3A, %dma_wait3A_5] : memref<1000000x64xf32, #tpu.memory_space<hbm>> -> memref<1000000x64xf32, #tpu.memory_space<hbm>>
    tpu.wait_indirect_dma semaphore(%arg11 : memref<!tpu.dma_semaphore, #tpu.memory_space<semaphore_mem>>) src(%dma_wait3A_6 : memref<1000000x64xf32, #tpu.memory_space<hbm>>) dst(%arg7 : memref<512x64xf32, #tpu.memory_space<vmem>>)
    %iota3A = tpu.iota {dimensions = array<i32: 0>} : vector<16xi32>
    %get3A = arith.constant 0 : index
    %get3A_7 = tpu.vector_load %arg8[%get3A] {strides = array<i32>} : memref<64xf32, #tpu.memory_space<vmem>>, vector<16xf32>,
    %get3A_8 = arith.constant 16 : index
    %get3A_9 = tpu.vector_load %arg8[%get3A_8] {strides = array<i32>} : memref<64xf32, #tpu.memory_space<vmem>>, vector<16xf32>,
    %get3A_10 = arith.constant 32 : index
    %get3A_11 = tpu.vector_load %arg8[%get3A_10] {strides = array<i32>} : memref<64xf32, #tpu.memory_space<vmem>>, vector<16xf32>,
    %get3A_12 = arith.constant 48 : index
    %get3A_13 = tpu.vector_load %arg8[%get3A_12] {strides = array<i32>} : memref<64xf32, #tpu.memory_space<vmem>>, vector<16xf32>,
    %scan3A = arith.constant 0 : i32
    %scan3A_14 = arith.constant 0 : i32
    %scan3A_15 = arith.constant 32 : i32
    %scan3A_16 = arith.addi %scan3A_14, %scan3A_15 : i32
    %scan3A_17 = arith.constant 1 : i32
    scf.for %scan3A_19 = %scan3A_14 to %scan3A_16 step %scan3A_17  : i32 {
      %mul3A_20 = arith.constant 16 : i32
      %mul3A_21 = arith.muli %scan3A_19, %mul3A_20 : i32
      %add3A_22 = arith.constant 0 : i32
      %add3A_23 = arith.addi %mul3A_21, %add3A_22 : i32
      %get3A_24 = arith.index_cast %add3A_23 : i32 to index
      %get3A_25 = arith.constant 0 : index
      %get3A_26 = tpu.vector_load %arg7[%get3A_24, %get3A_25] {strides = array<i32>} : memref<512x64xf32, #tpu.memory_space<vmem>>, vector<16xf32>,
      %mul3A_27 = arith.mulf %get3A_26, %get3A_7 : vector<16xf32>
      %get3A_28 = arith.index_cast %add3A_23 : i32 to index
      %get3A_29 = arith.constant 16 : index
      %get3A_30 = tpu.vector_load %arg7[%get3A_28, %get3A_29] {strides = array<i32>} : memref<512x64xf32, #tpu.memory_space<vmem>>, vector<16xf32>,
      %mul3A_31 = arith.mulf %get3A_30, %get3A_9 : vector<16xf32>
      %add3A_32 = arith.addf %mul3A_27, %mul3A_31 : vector<16xf32>
      %get3A_33 = arith.index_cast %add3A_23 : i32 to index
      %get3A_34 = arith.constant 32 : index
      %get3A_35 = tpu.vector_load %arg7[%get3A_33, %get3A_34] {strides = array<i32>} : memref<512x64xf32, #tpu.memory_space<vmem>>, vector<16xf32>,
      %mul3A_36 = arith.mulf %get3A_35, %get3A_11 : vector<16xf32>
      %add3A_37 = arith.addf %add3A_32, %mul3A_36 : vector<16xf32>
      %get3A_38 = arith.index_cast %add3A_23 : i32 to index
      %get3A_39 = arith.constant 48 : index
      %get3A_40 = tpu.vector_load %arg7[%get3A_38, %get3A_39] {strides = array<i32>} : memref<512x64xf32, #tpu.memory_space<vmem>>, vector<16xf32>,
      %mul3A_41 = arith.mulf %get3A_40, %get3A_13 : vector<16xf32>
      %add3A_42 = arith.addf %add3A_37, %mul3A_41 : vector<16xf32>
      %mul3A_43 = arith.constant 17 : i32
      %mul3A_44 = vector.broadcast %mul3A_43 : i32 to vector<16xi32>
      %mul3A_45 = arith.muli %iota3A, %mul3A_44 : vector<16xi32>
      %add3A_46 = arith.constant 0 : i32
      %add3A_47 = vector.broadcast %add3A_46 : i32 to vector<16xi32>
      %add3A_48 = arith.addi %mul3A_45, %add3A_47 : vector<16xi32>
      tpu.vector_store_idx %arg9[%add3A_48], %add3A_42 : memref<272xf32, #tpu.memory_space<vmem>>[vector<16xi32>], vector<16xf32>,
      %add3A_49 = arith.constant 1 : i32
      %add3A_50 = arith.addi %mul3A_21, %add3A_49 : i32
      %get3A_51 = arith.index_cast %add3A_50 : i32 to index
      %get3A_52 = arith.constant 0 : index
      %get3A_53 = tpu.vector_load %arg7[%get3A_51, %get3A_52] {strides = array<i32>} : memref<512x64xf32, #tpu.memory_space<vmem>>, vector<16xf32>,
      %mul3A_54 = arith.mulf %get3A_53, %get3A_7 : vector<16xf32>
      %get3A_55 = arith.index_cast %add3A_50 : i32 to index
      %get3A_56 = arith.constant 16 : index
      %get3A_57 = tpu.vector_load %arg7[%get3A_55, %get3A_56] {strides = array<i32>} : memref<512x64xf32, #tpu.memory_space<vmem>>, vector<16xf32>,
      %mul3A_58 = arith.mulf %get3A_57, %get3A_9 : vector<16xf32>
      %add3A_59 = arith.addf %mul3A_54, %mul3A_58 : vector<16xf32>
      %get3A_60 = arith.index_cast %add3A_50 : i32 to index
      %get3A_61 = arith.constant 32 : index
      %get3A_62 = tpu.vector_load %arg7[%get3A_60, %get3A_61] {strides = array<i32>} : memref<512x64xf32, #tpu.memory_space<vmem>>, vector<16xf32>,
      %mul3A_63 = arith.mulf %get3A_62, %get3A_11 : vector<16xf32>
      %add3A_64 = arith.addf %add3A_59, %mul3A_63 : vector<16xf32>
      %get3A_65 = arith.index_cast %add3A_50 : i32 to index
      %get3A_66 = arith.constant 48 : index
      %get3A_67 = tpu.vector_load %arg7[%get3A_65, %get3A_66] {strides = array<i32>} : memref<512x64xf32, #tpu.memory_space<vmem>>, vector<16xf32>,
      %mul3A_68 = arith.mulf %get3A_67, %get3A_13 : vector<16xf32>
      %add3A_69 = arith.addf %add3A_64, %mul3A_68 : vector<16xf32>
      %mul3A_70 = arith.constant 17 : i32
      %mul3A_71 = vector.broadcast %mul3A_70 : i32 to vector<16xi32>
      %mul3A_72 = arith.muli %iota3A, %mul3A_71 : vector<16xi32>
      %add3A_73 = arith.constant 1 : i32
      %add3A_74 = vector.broadcast %add3A_73 : i32 to vector<16xi32>
      %add3A_75 = arith.addi %mul3A_72, %add3A_74 : vector<16xi32>
      tpu.vector_store_idx %arg9[%add3A_75], %add3A_69 : memref<272xf32, #tpu.memory_space<vmem>>[vector<16xi32>], vector<16xf32>,
      %add3A_76 = arith.constant 2 : i32
      %add3A_77 = arith.addi %mul3A_21, %add3A_76 : i32
      %get3A_78 = arith.index_cast %add3A_77 : i32 to index
      %get3A_79 = arith.constant 0 : index
      %get3A_80 = tpu.vector_load %arg7[%get3A_78, %get3A_79] {strides = array<i32>} : memref<512x64xf32, #tpu.memory_space<vmem>>, vector<16xf32>,
      %mul3A_81 = arith.mulf %get3A_80, %get3A_7 : vector<16xf32>
      %get3A_82 = arith.index_cast %add3A_77 : i32 to index
      %get3A_83 = arith.constant 16 : index
      %get3A_84 = tpu.vector_load %arg7[%get3A_82, %get3A_83] {strides = array<i32>} : memref<512x64xf32, #tpu.memory_space<vmem>>, vector<16xf32>,
      %mul3A_85 = arith.mulf %get3A_84, %get3A_9 : vector<16xf32>
      %add3A_86 = arith.addf %mul3A_81, %mul3A_85 : vector<16xf32>
      %get3A_87 = arith.index_cast %add3A_77 : i32 to index
      %get3A_88 = arith.constant 32 : index
      %get3A_89 = tpu.vector_load %arg7[%get3A_87, %get3A_88] {strides = array<i32>} : memref<512x64xf32, #tpu.memory_space<vmem>>, vector<16xf32>,
      %mul3A_90 = arith.mulf %get3A_89, %get3A_11 : vector<16xf32>
      %add3A_91 = arith.addf %add3A_86, %mul3A_90 : vector<16xf32>
      %get3A_92 = arith.index_cast %add3A_77 : i32 to index
      %get3A_93 = arith.constant 48 : index
      %get3A_94 = tpu.vector_load %arg7[%get3A_92, %get3A_93] {strides = array<i32>} : memref<512x64xf32, #tpu.memory_space<vmem>>, vector<16xf32>,
      %mul3A_95 = arith.mulf %get3A_94, %get3A_13 : vector<16xf32>
      %add3A_96 = arith.addf %add3A_91, %mul3A_95 : vector<16xf32>
      %mul3A_97 = arith.constant 17 : i32
      %mul3A_98 = vector.broadcast %mul3A_97 : i32 to vector<16xi32>
      %mul3A_99 = arith.muli %iota3A, %mul3A_98 : vector<16xi32>
      %add3A_100 = arith.constant 2 : i32
      %add3A_101 = vector.broadcast %add3A_100 : i32 to vector<16xi32>
      %add3A_102 = arith.addi %mul3A_99, %add3A_101 : vector<16xi32>
      tpu.vector_store_idx %arg9[%add3A_102], %add3A_96 : memref<272xf32, #tpu.memory_space<vmem>>[vector<16xi32>], vector<16xf32>,
      %add3A_103 = arith.constant 3 : i32
      %add3A_104 = arith.addi %mul3A_21, %add3A_103 : i32
      %get3A_105 = arith.index_cast %add3A_104 : i32 to index
      %get3A_106 = arith.constant 0 : index
      %get3A_107 = tpu.vector_load %arg7[%get3A_105, %get3A_106] {strides = array<i32>} : memref<512x64xf32, #tpu.memory_space<vmem>>, vector<16xf32>,
      %mul3A_108 = arith.mulf %get3A_107, %get3A_7 : vector<16xf32>
      %get3A_109 = arith.index_cast %add3A_104 : i32 to index
      %get3A_110 = arith.constant 16 : index
      %get3A_111 = tpu.vector_load %arg7[%get3A_109, %get3A_110] {strides = array<i32>} : memref<512x64xf32, #tpu.memory_space<vmem>>, vector<16xf32>,
      %mul3A_112 = arith.mulf %get3A_111, %get3A_9 : vector<16xf32>
      %add3A_113 = arith.addf %mul3A_108, %mul3A_112 : vector<16xf32>
      %get3A_114 = arith.index_cast %add3A_104 : i32 to index
      %get3A_115 = arith.constant 32 : index
      %get3A_116 = tpu.vector_load %arg7[%get3A_114, %get3A_115] {strides = array<i32>} : memref<512x64xf32, #tpu.memory_space<vmem>>, vector<16xf32>,
      %mul3A_117 = arith.mulf %get3A_116, %get3A_11 : vector<16xf32>
      %add3A_118 = arith.addf %add3A_113, %mul3A_117 : vector<16xf32>
      %get3A_119 = arith.index_cast %add3A_104 : i32 to index
      %get3A_120 = arith.constant 48 : index
      %get3A_121 = tpu.vector_load %arg7[%get3A_119, %get3A_120] {strides = array<i32>} : memref<512x64xf32, #tpu.memory_space<vmem>>, vector<16xf32>,
      %mul3A_122 = arith.mulf %get3A_121, %get3A_13 : vector<16xf32>
      %add3A_123 = arith.addf %add3A_118, %mul3A_122 : vector<16xf32>
      %mul3A_124 = arith.constant 17 : i32
      %mul3A_125 = vector.broadcast %mul3A_124 : i32 to vector<16xi32>
      %mul3A_126 = arith.muli %iota3A, %mul3A_125 : vector<16xi32>
      %add3A_127 = arith.constant 3 : i32
      %add3A_128 = vector.broadcast %add3A_127 : i32 to vector<16xi32>
      %add3A_129 = arith.addi %mul3A_126, %add3A_128 : vector<16xi32>
      tpu.vector_store_idx %arg9[%add3A_129], %add3A_123 : memref<272xf32, #tpu.memory_space<vmem>>[vector<16xi32>], vector<16xf32>,
      %add3A_130 = arith.constant 4 : i32
      %add3A_131 = arith.addi %mul3A_21, %add3A_130 : i32
      %get3A_132 = arith.index_cast %add3A_131 : i32 to index
      %get3A_133 = arith.constant 0 : index
      %get3A_134 = tpu.vector_load %arg7[%get3A_132, %get3A_133] {strides = array<i32>} : memref<512x64xf32, #tpu.memory_space<vmem>>, vector<16xf32>,
      %mul3A_135 = arith.mulf %get3A_134, %get3A_7 : vector<16xf32>
      %get3A_136 = arith.index_cast %add3A_131 : i32 to index
      %get3A_137 = arith.constant 16 : index
      %get3A_138 = tpu.vector_load %arg7[%get3A_136, %get3A_137] {strides = array<i32>} : memref<512x64xf32, #tpu.memory_space<vmem>>, vector<16xf32>,
      %mul3A_139 = arith.mulf %get3A_138, %get3A_9 : vector<16xf32>
      %add3A_140 = arith.addf %mul3A_135, %mul3A_139 : vector<16xf32>
      %get3A_141 = arith.index_cast %add3A_131 : i32 to index
      %get3A_142 = arith.constant 32 : index
      %get3A_143 = tpu.vector_load %arg7[%get3A_141, %get3A_142] {strides = array<i32>} : memref<512x64xf32, #tpu.memory_space<vmem>>, vector<16xf32>,
      %mul3A_144 = arith.mulf %get3A_143, %get3A_11 : vector<16xf32>
      %add3A_145 = arith.addf %add3A_140, %mul3A_144 : vector<16xf32>
      %get3A_146 = arith.index_cast %add3A_131 : i32 to index
      %get3A_147 = arith.constant 48 : index
      %get3A_148 = tpu.vector_load %arg7[%get3A_146, %get3A_147] {strides = array<i32>} : memref<512x64xf32, #tpu.memory_space<vmem>>, vector<16xf32>,
      %mul3A_149 = arith.mulf %get3A_148, %get3A_13 : vector<16xf32>
      %add3A_150 = arith.addf %add3A_145, %mul3A_149 : vector<16xf32>
      %mul3A_151 = arith.constant 17 : i32
      %mul3A_152 = vector.broadcast %mul3A_151 : i32 to vector<16xi32>
      %mul3A_153 = arith.muli %iota3A, %mul3A_152 : vector<16xi32>
      %add3A_154 = arith.constant 4 : i32
      %add3A_155 = vector.broadcast %add3A_154 : i32 to vector<16xi32>
      %add3A_156 = arith.addi %mul3A_153, %add3A_155 : vector<16xi32>
      tpu.vector_store_idx %arg9[%add3A_156], %add3A_150 : memref<272xf32, #tpu.memory_space<vmem>>[vector<16xi32>], vector<16xf32>,
      %add3A_157 = arith.constant 5 : i32
      %add3A_158 = arith.addi %mul3A_21, %add3A_157 : i32
      %get3A_159 = arith.index_cast %add3A_158 : i32 to index
      %get3A_160 = arith.constant 0 : index
      %get3A_161 = tpu.vector_load %arg7[%get3A_159, %get3A_160] {strides = array<i32>} : memref<512x64xf32, #tpu.memory_space<vmem>>, vector<16xf32>,
      %mul3A_162 = arith.mulf %get3A_161, %get3A_7 : vector<16xf32>
      %get3A_163 = arith.index_cast %add3A_158 : i32 to index
      %get3A_164 = arith.constant 16 : index
      %get3A_165 = tpu.vector_load %arg7[%get3A_163, %get3A_164] {strides = array<i32>} : memref<512x64xf32, #tpu.memory_space<vmem>>, vector<16xf32>,
      %mul3A_166 = arith.mulf %get3A_165, %get3A_9 : vector<16xf32>
      %add3A_167 = arith.addf %mul3A_162, %mul3A_166 : vector<16xf32>
      %get3A_168 = arith.index_cast %add3A_158 : i32 to index
      %get3A_169 = arith.constant 32 : index
      %get3A_170 = tpu.vector_load %arg7[%get3A_168, %get3A_169] {strides = array<i32>} : memref<512x64xf32, #tpu.memory_space<vmem>>, vector<16xf32>,
      %mul3A_171 = arith.mulf %get3A_170, %get3A_11 : vector<16xf32>
      %add3A_172 = arith.addf %add3A_167, %mul3A_171 : vector<16xf32>
      %get3A_173 = arith.index_cast %add3A_158 : i32 to index
      %get3A_174 = arith.constant 48 : index
      %get3A_175 = tpu.vector_load %arg7[%get3A_173, %get3A_174] {strides = array<i32>} : memref<512x64xf32, #tpu.memory_space<vmem>>, vector<16xf32>,
      %mul3A_176 = arith.mulf %get3A_175, %get3A_13 : vector<16xf32>
      %add3A_177 = arith.addf %add3A_172, %mul3A_176 : vector<16xf32>
      %mul3A_178 = arith.constant 17 : i32
      %mul3A_179 = vector.broadcast %mul3A_178 : i32 to vector<16xi32>
      %mul3A_180 = arith.muli %iota3A, %mul3A_179 : vector<16xi32>
      %add3A_181 = arith.constant 5 : i32
      %add3A_182 = vector.broadcast %add3A_181 : i32 to vector<16xi32>
      %add3A_183 = arith.addi %mul3A_180, %add3A_182 : vector<16xi32>
      tpu.vector_store_idx %arg9[%add3A_183], %add3A_177 : memref<272xf32, #tpu.memory_space<vmem>>[vector<16xi32>], vector<16xf32>,
      %add3A_184 = arith.constant 6 : i32
      %add3A_185 = arith.addi %mul3A_21, %add3A_184 : i32
      %get3A_186 = arith.index_cast %add3A_185 : i32 to index
      %get3A_187 = arith.constant 0 : index
      %get3A_188 = tpu.vector_load %arg7[%get3A_186, %get3A_187] {strides = array<i32>} : memref<512x64xf32, #tpu.memory_space<vmem>>, vector<16xf32>,
      %mul3A_189 = arith.mulf %get3A_188, %get3A_7 : vector<16xf32>
      %get3A_190 = arith.index_cast %add3A_185 : i32 to index
      %get3A_191 = arith.constant 16 : index
      %get3A_192 = tpu.vector_load %arg7[%get3A_190, %get3A_191] {strides = array<i32>} : memref<512x64xf32, #tpu.memory_space<vmem>>, vector<16xf32>,
      %mul3A_193 = arith.mulf %get3A_192, %get3A_9 : vector<16xf32>
      %add3A_194 = arith.addf %mul3A_189, %mul3A_193 : vector<16xf32>
      %get3A_195 = arith.index_cast %add3A_185 : i32 to index
      %get3A_196 = arith.constant 32 : index
      %get3A_197 = tpu.vector_load %arg7[%get3A_195, %get3A_196] {strides = array<i32>} : memref<512x64xf32, #tpu.memory_space<vmem>>, vector<16xf32>,
      %mul3A_198 = arith.mulf %get3A_197, %get3A_11 : vector<16xf32>
      %add3A_199 = arith.addf %add3A_194, %mul3A_198 : vector<16xf32>
      %get3A_200 = arith.index_cast %add3A_185 : i32 to index
      %get3A_201 = arith.constant 48 : index
      %get3A_202 = tpu.vector_load %arg7[%get3A_200, %get3A_201] {strides = array<i32>} : memref<512x64xf32, #tpu.memory_space<vmem>>, vector<16xf32>,
      %mul3A_203 = arith.mulf %get3A_202, %get3A_13 : vector<16xf32>
      %add3A_204 = arith.addf %add3A_199, %mul3A_203 : vector<16xf32>
      %mul3A_205 = arith.constant 17 : i32
      %mul3A_206 = vector.broadcast %mul3A_205 : i32 to vector<16xi32>
      %mul3A_207 = arith.muli %iota3A, %mul3A_206 : vector<16xi32>
      %add3A_208 = arith.constant 6 : i32
      %add3A_209 = vector.broadcast %add3A_208 : i32 to vector<16xi32>
      %add3A_210 = arith.addi %mul3A_207, %add3A_209 : vector<16xi32>
      tpu.vector_store_idx %arg9[%add3A_210], %add3A_204 : memref<272xf32, #tpu.memory_space<vmem>>[vector<16xi32>], vector<16xf32>,
      %add3A_211 = arith.constant 7 : i32
      %add3A_212 = arith.addi %mul3A_21, %add3A_211 : i32
      %get3A_213 = arith.index_cast %add3A_212 : i32 to index
      %get3A_214 = arith.constant 0 : index
      %get3A_215 = tpu.vector_load %arg7[%get3A_213, %get3A_214] {strides = array<i32>} : memref<512x64xf32, #tpu.memory_space<vmem>>, vector<16xf32>,
      %mul3A_216 = arith.mulf %get3A_215, %get3A_7 : vector<16xf32>
      %get3A_217 = arith.index_cast %add3A_212 : i32 to index
      %get3A_218 = arith.constant 16 : index
      %get3A_219 = tpu.vector_load %arg7[%get3A_217, %get3A_218] {strides = array<i32>} : memref<512x64xf32, #tpu.memory_space<vmem>>, vector<16xf32>,
      %mul3A_220 = arith.mulf %get3A_219, %get3A_9 : vector<16xf32>
      %add3A_221 = arith.addf %mul3A_216, %mul3A_220 : vector<16xf32>
      %get3A_222 = arith.index_cast %add3A_212 : i32 to index
      %get3A_223 = arith.constant 32 : index
      %get3A_224 = tpu.vector_load %arg7[%get3A_222, %get3A_223] {strides = array<i32>} : memref<512x64xf32, #tpu.memory_space<vmem>>, vector<16xf32>,
      %mul3A_225 = arith.mulf %get3A_224, %get3A_11 : vector<16xf32>
      %add3A_226 = arith.addf %add3A_221, %mul3A_225 : vector<16xf32>
      %get3A_227 = arith.index_cast %add3A_212 : i32 to index
      %get3A_228 = arith.constant 48 : index
      %get3A_229 = tpu.vector_load %arg7[%get3A_227, %get3A_228] {strides = array<i32>} : memref<512x64xf32, #tpu.memory_space<vmem>>, vector<16xf32>,
      %mul3A_230 = arith.mulf %get3A_229, %get3A_13 : vector<16xf32>
      %add3A_231 = arith.addf %add3A_226, %mul3A_230 : vector<16xf32>
      %mul3A_232 = arith.constant 17 : i32
      %mul3A_233 = vector.broadcast %mul3A_232 : i32 to vector<16xi32>
      %mul3A_234 = arith.muli %iota3A, %mul3A_233 : vector<16xi32>
      %add3A_235 = arith.constant 7 : i32
      %add3A_236 = vector.broadcast %add3A_235 : i32 to vector<16xi32>
      %add3A_237 = arith.addi %mul3A_234, %add3A_236 : vector<16xi32>
      tpu.vector_store_idx %arg9[%add3A_237], %add3A_231 : memref<272xf32, #tpu.memory_space<vmem>>[vector<16xi32>], vector<16xf32>,
      %add3A_238 = arith.constant 8 : i32
      %add3A_239 = arith.addi %mul3A_21, %add3A_238 : i32
      %get3A_240 = arith.index_cast %add3A_239 : i32 to index
      %get3A_241 = arith.constant 0 : index
      %get3A_242 = tpu.vector_load %arg7[%get3A_240, %get3A_241] {strides = array<i32>} : memref<512x64xf32, #tpu.memory_space<vmem>>, vector<16xf32>,
      %mul3A_243 = arith.mulf %get3A_242, %get3A_7 : vector<16xf32>
      %get3A_244 = arith.index_cast %add3A_239 : i32 to index
      %get3A_245 = arith.constant 16 : index
      %get3A_246 = tpu.vector_load %arg7[%get3A_244, %get3A_245] {strides = array<i32>} : memref<512x64xf32, #tpu.memory_space<vmem>>, vector<16xf32>,
      %mul3A_247 = arith.mulf %get3A_246, %get3A_9 : vector<16xf32>
      %add3A_248 = arith.addf %mul3A_243, %mul3A_247 : vector<16xf32>
      %get3A_249 = arith.index_cast %add3A_239 : i32 to index
      %get3A_250 = arith.constant 32 : index
      %get3A_251 = tpu.vector_load %arg7[%get3A_249, %get3A_250] {strides = array<i32>} : memref<512x64xf32, #tpu.memory_space<vmem>>, vector<16xf32>,
      %mul3A_252 = arith.mulf %get3A_251, %get3A_11 : vector<16xf32>
      %add3A_253 = arith.addf %add3A_248, %mul3A_252 : vector<16xf32>
      %get3A_254 = arith.index_cast %add3A_239 : i32 to index
      %get3A_255 = arith.constant 48 : index
      %get3A_256 = tpu.vector_load %arg7[%get3A_254, %get3A_255] {strides = array<i32>} : memref<512x64xf32, #tpu.memory_space<vmem>>, vector<16xf32>,
      %mul3A_257 = arith.mulf %get3A_256, %get3A_13 : vector<16xf32>
      %add3A_258 = arith.addf %add3A_253, %mul3A_257 : vector<16xf32>
      %mul3A_259 = arith.constant 17 : i32
      %mul3A_260 = vector.broadcast %mul3A_259 : i32 to vector<16xi32>
      %mul3A_261 = arith.muli %iota3A, %mul3A_260 : vector<16xi32>
      %add3A_262 = arith.constant 8 : i32
      %add3A_263 = vector.broadcast %add3A_262 : i32 to vector<16xi32>
      %add3A_264 = arith.addi %mul3A_261, %add3A_263 : vector<16xi32>
      tpu.vector_store_idx %arg9[%add3A_264], %add3A_258 : memref<272xf32, #tpu.memory_space<vmem>>[vector<16xi32>], vector<16xf32>,
      %add3A_265 = arith.constant 9 : i32
      %add3A_266 = arith.addi %mul3A_21, %add3A_265 : i32
      %get3A_267 = arith.index_cast %add3A_266 : i32 to index
      %get3A_268 = arith.constant 0 : index
      %get3A_269 = tpu.vector_load %arg7[%get3A_267, %get3A_268] {strides = array<i32>} : memref<512x64xf32, #tpu.memory_space<vmem>>, vector<16xf32>,
      %mul3A_270 = arith.mulf %get3A_269, %get3A_7 : vector<16xf32>
      %get3A_271 = arith.index_cast %add3A_266 : i32 to index
      %get3A_272 = arith.constant 16 : index
      %get3A_273 = tpu.vector_load %arg7[%get3A_271, %get3A_272] {strides = array<i32>} : memref<512x64xf32, #tpu.memory_space<vmem>>, vector<16xf32>,
      %mul3A_274 = arith.mulf %get3A_273, %get3A_9 : vector<16xf32>
      %add3A_275 = arith.addf %mul3A_270, %mul3A_274 : vector<16xf32>
      %get3A_276 = arith.index_cast %add3A_266 : i32 to index
      %get3A_277 = arith.constant 32 : index
      %get3A_278 = tpu.vector_load %arg7[%get3A_276, %get3A_277] {strides = array<i32>} : memref<512x64xf32, #tpu.memory_space<vmem>>, vector<16xf32>,
      %mul3A_279 = arith.mulf %get3A_278, %get3A_11 : vector<16xf32>
      %add3A_280 = arith.addf %add3A_275, %mul3A_279 : vector<16xf32>
      %get3A_281 = arith.index_cast %add3A_266 : i32 to index
      %get3A_282 = arith.constant 48 : index
      %get3A_283 = tpu.vector_load %arg7[%get3A_281, %get3A_282] {strides = array<i32>} : memref<512x64xf32, #tpu.memory_space<vmem>>, vector<16xf32>,
      %mul3A_284 = arith.mulf %get3A_283, %get3A_13 : vector<16xf32>
      %add3A_285 = arith.addf %add3A_280, %mul3A_284 : vector<16xf32>
      %mul3A_286 = arith.constant 17 : i32
      %mul3A_287 = vector.broadcast %mul3A_286 : i32 to vector<16xi32>
      %mul3A_288 = arith.muli %iota3A, %mul3A_287 : vector<16xi32>
      %add3A_289 = arith.constant 9 : i32
      %add3A_290 = vector.broadcast %add3A_289 : i32 to vector<16xi32>
      %add3A_291 = arith.addi %mul3A_288, %add3A_290 : vector<16xi32>
      tpu.vector_store_idx %arg9[%add3A_291], %add3A_285 : memref<272xf32, #tpu.memory_space<vmem>>[vector<16xi32>], vector<16xf32>,
      %add3A_292 = arith.constant 10 : i32
      %add3A_293 = arith.addi %mul3A_21, %add3A_292 : i32
      %get3A_294 = arith.index_cast %add3A_293 : i32 to index
      %get3A_295 = arith.constant 0 : index
      %get3A_296 = tpu.vector_load %arg7[%get3A_294, %get3A_295] {strides = array<i32>} : memref<512x64xf32, #tpu.memory_space<vmem>>, vector<16xf32>,
      %mul3A_297 = arith.mulf %get3A_296, %get3A_7 : vector<16xf32>
      %get3A_298 = arith.index_cast %add3A_293 : i32 to index
      %get3A_299 = arith.constant 16 : index
      %get3A_300 = tpu.vector_load %arg7[%get3A_298, %get3A_299] {strides = array<i32>} : memref<512x64xf32, #tpu.memory_space<vmem>>, vector<16xf32>,
      %mul3A_301 = arith.mulf %get3A_300, %get3A_9 : vector<16xf32>
      %add3A_302 = arith.addf %mul3A_297, %mul3A_301 : vector<16xf32>
      %get3A_303 = arith.index_cast %add3A_293 : i32 to index
      %get3A_304 = arith.constant 32 : index
      %get3A_305 = tpu.vector_load %arg7[%get3A_303, %get3A_304] {strides = array<i32>} : memref<512x64xf32, #tpu.memory_space<vmem>>, vector<16xf32>,
      %mul3A_306 = arith.mulf %get3A_305, %get3A_11 : vector<16xf32>
      %add3A_307 = arith.addf %add3A_302, %mul3A_306 : vector<16xf32>
      %get3A_308 = arith.index_cast %add3A_293 : i32 to index
      %get3A_309 = arith.constant 48 : index
      %get3A_310 = tpu.vector_load %arg7[%get3A_308, %get3A_309] {strides = array<i32>} : memref<512x64xf32, #tpu.memory_space<vmem>>, vector<16xf32>,
      %mul3A_311 = arith.mulf %get3A_310, %get3A_13 : vector<16xf32>
      %add3A_312 = arith.addf %add3A_307, %mul3A_311 : vector<16xf32>
      %mul3A_313 = arith.constant 17 : i32
      %mul3A_314 = vector.broadcast %mul3A_313 : i32 to vector<16xi32>
      %mul3A_315 = arith.muli %iota3A, %mul3A_314 : vector<16xi32>
      %add3A_316 = arith.constant 10 : i32
      %add3A_317 = vector.broadcast %add3A_316 : i32 to vector<16xi32>
      %add3A_318 = arith.addi %mul3A_315, %add3A_317 : vector<16xi32>
      tpu.vector_store_idx %arg9[%add3A_318], %add3A_312 : memref<272xf32, #tpu.memory_space<vmem>>[vector<16xi32>], vector<16xf32>,
      %add3A_319 = arith.constant 11 : i32
      %add3A_320 = arith.addi %mul3A_21, %add3A_319 : i32
      %get3A_321 = arith.index_cast %add3A_320 : i32 to index
      %get3A_322 = arith.constant 0 : index
      %get3A_323 = tpu.vector_load %arg7[%get3A_321, %get3A_322] {strides = array<i32>} : memref<512x64xf32, #tpu.memory_space<vmem>>, vector<16xf32>,
      %mul3A_324 = arith.mulf %get3A_323, %get3A_7 : vector<16xf32>
      %get3A_325 = arith.index_cast %add3A_320 : i32 to index
      %get3A_326 = arith.constant 16 : index
      %get3A_327 = tpu.vector_load %arg7[%get3A_325, %get3A_326] {strides = array<i32>} : memref<512x64xf32, #tpu.memory_space<vmem>>, vector<16xf32>,
      %mul3A_328 = arith.mulf %get3A_327, %get3A_9 : vector<16xf32>
      %add3A_329 = arith.addf %mul3A_324, %mul3A_328 : vector<16xf32>
      %get3A_330 = arith.index_cast %add3A_320 : i32 to index
      %get3A_331 = arith.constant 32 : index
      %get3A_332 = tpu.vector_load %arg7[%get3A_330, %get3A_331] {strides = array<i32>} : memref<512x64xf32, #tpu.memory_space<vmem>>, vector<16xf32>,
      %mul3A_333 = arith.mulf %get3A_332, %get3A_11 : vector<16xf32>
      %add3A_334 = arith.addf %add3A_329, %mul3A_333 : vector<16xf32>
      %get3A_335 = arith.index_cast %add3A_320 : i32 to index
      %get3A_336 = arith.constant 48 : index
      %get3A_337 = tpu.vector_load %arg7[%get3A_335, %get3A_336] {strides = array<i32>} : memref<512x64xf32, #tpu.memory_space<vmem>>, vector<16xf32>,
      %mul3A_338 = arith.mulf %get3A_337, %get3A_13 : vector<16xf32>
      %add3A_339 = arith.addf %add3A_334, %mul3A_338 : vector<16xf32>
      %mul3A_340 = arith.constant 17 : i32
      %mul3A_341 = vector.broadcast %mul3A_340 : i32 to vector<16xi32>
      %mul3A_342 = arith.muli %iota3A, %mul3A_341 : vector<16xi32>
      %add3A_343 = arith.constant 11 : i32
      %add3A_344 = vector.broadcast %add3A_343 : i32 to vector<16xi32>
      %add3A_345 = arith.addi %mul3A_342, %add3A_344 : vector<16xi32>
      tpu.vector_store_idx %arg9[%add3A_345], %add3A_339 : memref<272xf32, #tpu.memory_space<vmem>>[vector<16xi32>], vector<16xf32>,
      %add3A_346 = arith.constant 12 : i32
      %add3A_347 = arith.addi %mul3A_21, %add3A_346 : i32
      %get3A_348 = arith.index_cast %add3A_347 : i32 to index
      %get3A_349 = arith.constant 0 : index
      %get3A_350 = tpu.vector_load %arg7[%get3A_348, %get3A_349] {strides = array<i32>} : memref<512x64xf32, #tpu.memory_space<vmem>>, vector<16xf32>,
      %mul3A_351 = arith.mulf %get3A_350, %get3A_7 : vector<16xf32>
      %get3A_352 = arith.index_cast %add3A_347 : i32 to index
      %get3A_353 = arith.constant 16 : index
      %get3A_354 = tpu.vector_load %arg7[%get3A_352, %get3A_353] {strides = array<i32>} : memref<512x64xf32, #tpu.memory_space<vmem>>, vector<16xf32>,
      %mul3A_355 = arith.mulf %get3A_354, %get3A_9 : vector<16xf32>
      %add3A_356 = arith.addf %mul3A_351, %mul3A_355 : vector<16xf32>
      %get3A_357 = arith.index_cast %add3A_347 : i32 to index
      %get3A_358 = arith.constant 32 : index
      %get3A_359 = tpu.vector_load %arg7[%get3A_357, %get3A_358] {strides = array<i32>} : memref<512x64xf32, #tpu.memory_space<vmem>>, vector<16xf32>,
      %mul3A_360 = arith.mulf %get3A_359, %get3A_11 : vector<16xf32>
      %add3A_361 = arith.addf %add3A_356, %mul3A_360 : vector<16xf32>
      %get3A_362 = arith.index_cast %add3A_347 : i32 to index
      %get3A_363 = arith.constant 48 : index
      %get3A_364 = tpu.vector_load %arg7[%get3A_362, %get3A_363] {strides = array<i32>} : memref<512x64xf32, #tpu.memory_space<vmem>>, vector<16xf32>,
      %mul3A_365 = arith.mulf %get3A_364, %get3A_13 : vector<16xf32>
      %add3A_366 = arith.addf %add3A_361, %mul3A_365 : vector<16xf32>
      %mul3A_367 = arith.constant 17 : i32
      %mul3A_368 = vector.broadcast %mul3A_367 : i32 to vector<16xi32>
      %mul3A_369 = arith.muli %iota3A, %mul3A_368 : vector<16xi32>
      %add3A_370 = arith.constant 12 : i32
      %add3A_371 = vector.broadcast %add3A_370 : i32 to vector<16xi32>
      %add3A_372 = arith.addi %mul3A_369, %add3A_371 : vector<16xi32>
      tpu.vector_store_idx %arg9[%add3A_372], %add3A_366 : memref<272xf32, #tpu.memory_space<vmem>>[vector<16xi32>], vector<16xf32>,
      %add3A_373 = arith.constant 13 : i32
      %add3A_374 = arith.addi %mul3A_21, %add3A_373 : i32
      %get3A_375 = arith.index_cast %add3A_374 : i32 to index
      %get3A_376 = arith.constant 0 : index
      %get3A_377 = tpu.vector_load %arg7[%get3A_375, %get3A_376] {strides = array<i32>} : memref<512x64xf32, #tpu.memory_space<vmem>>, vector<16xf32>,
      %mul3A_378 = arith.mulf %get3A_377, %get3A_7 : vector<16xf32>
      %get3A_379 = arith.index_cast %add3A_374 : i32 to index
      %get3A_380 = arith.constant 16 : index
      %get3A_381 = tpu.vector_load %arg7[%get3A_379, %get3A_380] {strides = array<i32>} : memref<512x64xf32, #tpu.memory_space<vmem>>, vector<16xf32>,
      %mul3A_382 = arith.mulf %get3A_381, %get3A_9 : vector<16xf32>
      %add3A_383 = arith.addf %mul3A_378, %mul3A_382 : vector<16xf32>
      %get3A_384 = arith.index_cast %add3A_374 : i32 to index
      %get3A_385 = arith.constant 32 : index
      %get3A_386 = tpu.vector_load %arg7[%get3A_384, %get3A_385] {strides = array<i32>} : memref<512x64xf32, #tpu.memory_space<vmem>>, vector<16xf32>,
      %mul3A_387 = arith.mulf %get3A_386, %get3A_11 : vector<16xf32>
      %add3A_388 = arith.addf %add3A_383, %mul3A_387 : vector<16xf32>
      %get3A_389 = arith.index_cast %add3A_374 : i32 to index
      %get3A_390 = arith.constant 48 : index
      %get3A_391 = tpu.vector_load %arg7[%get3A_389, %get3A_390] {strides = array<i32>} : memref<512x64xf32, #tpu.memory_space<vmem>>, vector<16xf32>,
      %mul3A_392 = arith.mulf %get3A_391, %get3A_13 : vector<16xf32>
      %add3A_393 = arith.addf %add3A_388, %mul3A_392 : vector<16xf32>
      %mul3A_394 = arith.constant 17 : i32
      %mul3A_395 = vector.broadcast %mul3A_394 : i32 to vector<16xi32>
      %mul3A_396 = arith.muli %iota3A, %mul3A_395 : vector<16xi32>
      %add3A_397 = arith.constant 13 : i32
      %add3A_398 = vector.broadcast %add3A_397 : i32 to vector<16xi32>
      %add3A_399 = arith.addi %mul3A_396, %add3A_398 : vector<16xi32>
      tpu.vector_store_idx %arg9[%add3A_399], %add3A_393 : memref<272xf32, #tpu.memory_space<vmem>>[vector<16xi32>], vector<16xf32>,
      %add3A_400 = arith.constant 14 : i32
      %add3A_401 = arith.addi %mul3A_21, %add3A_400 : i32
      %get3A_402 = arith.index_cast %add3A_401 : i32 to index
      %get3A_403 = arith.constant 0 : index
      %get3A_404 = tpu.vector_load %arg7[%get3A_402, %get3A_403] {strides = array<i32>} : memref<512x64xf32, #tpu.memory_space<vmem>>, vector<16xf32>,
      %mul3A_405 = arith.mulf %get3A_404, %get3A_7 : vector<16xf32>
      %get3A_406 = arith.index_cast %add3A_401 : i32 to index
      %get3A_407 = arith.constant 16 : index
      %get3A_408 = tpu.vector_load %arg7[%get3A_406, %get3A_407] {strides = array<i32>} : memref<512x64xf32, #tpu.memory_space<vmem>>, vector<16xf32>,
      %mul3A_409 = arith.mulf %get3A_408, %get3A_9 : vector<16xf32>
      %add3A_410 = arith.addf %mul3A_405, %mul3A_409 : vector<16xf32>
      %get3A_411 = arith.index_cast %add3A_401 : i32 to index
      %get3A_412 = arith.constant 32 : index
      %get3A_413 = tpu.vector_load %arg7[%get3A_411, %get3A_412] {strides = array<i32>} : memref<512x64xf32, #tpu.memory_space<vmem>>, vector<16xf32>,
      %mul3A_414 = arith.mulf %get3A_413, %get3A_11 : vector<16xf32>
      %add3A_415 = arith.addf %add3A_410, %mul3A_414 : vector<16xf32>
      %get3A_416 = arith.index_cast %add3A_401 : i32 to index
      %get3A_417 = arith.constant 48 : index
      %get3A_418 = tpu.vector_load %arg7[%get3A_416, %get3A_417] {strides = array<i32>} : memref<512x64xf32, #tpu.memory_space<vmem>>, vector<16xf32>,
      %mul3A_419 = arith.mulf %get3A_418, %get3A_13 : vector<16xf32>
      %add3A_420 = arith.addf %add3A_415, %mul3A_419 : vector<16xf32>
      %mul3A_421 = arith.constant 17 : i32
      %mul3A_422 = vector.broadcast %mul3A_421 : i32 to vector<16xi32>
      %mul3A_423 = arith.muli %iota3A, %mul3A_422 : vector<16xi32>
      %add3A_424 = arith.constant 14 : i32
      %add3A_425 = vector.broadcast %add3A_424 : i32 to vector<16xi32>
      %add3A_426 = arith.addi %mul3A_423, %add3A_425 : vector<16xi32>
      tpu.vector_store_idx %arg9[%add3A_426], %add3A_420 : memref<272xf32, #tpu.memory_space<vmem>>[vector<16xi32>], vector<16xf32>,
      %add3A_427 = arith.constant 15 : i32
      %add3A_428 = arith.addi %mul3A_21, %add3A_427 : i32
      %get3A_429 = arith.index_cast %add3A_428 : i32 to index
      %get3A_430 = arith.constant 0 : index
      %get3A_431 = tpu.vector_load %arg7[%get3A_429, %get3A_430] {strides = array<i32>} : memref<512x64xf32, #tpu.memory_space<vmem>>, vector<16xf32>,
      %mul3A_432 = arith.mulf %get3A_431, %get3A_7 : vector<16xf32>
      %get3A_433 = arith.index_cast %add3A_428 : i32 to index
      %get3A_434 = arith.constant 16 : index
      %get3A_435 = tpu.vector_load %arg7[%get3A_433, %get3A_434] {strides = array<i32>} : memref<512x64xf32, #tpu.memory_space<vmem>>, vector<16xf32>,
      %mul3A_436 = arith.mulf %get3A_435, %get3A_9 : vector<16xf32>
      %add3A_437 = arith.addf %mul3A_432, %mul3A_436 : vector<16xf32>
      %get3A_438 = arith.index_cast %add3A_428 : i32 to index
      %get3A_439 = arith.constant 32 : index
      %get3A_440 = tpu.vector_load %arg7[%get3A_438, %get3A_439] {strides = array<i32>} : memref<512x64xf32, #tpu.memory_space<vmem>>, vector<16xf32>,
      %mul3A_441 = arith.mulf %get3A_440, %get3A_11 : vector<16xf32>
      %add3A_442 = arith.addf %add3A_437, %mul3A_441 : vector<16xf32>
      %get3A_443 = arith.index_cast %add3A_428 : i32 to index
      %get3A_444 = arith.constant 48 : index
      %get3A_445 = tpu.vector_load %arg7[%get3A_443, %get3A_444] {strides = array<i32>} : memref<512x64xf32, #tpu.memory_space<vmem>>, vector<16xf32>,
      %mul3A_446 = arith.mulf %get3A_445, %get3A_13 : vector<16xf32>
      %add3A_447 = arith.addf %add3A_442, %mul3A_446 : vector<16xf32>
      %mul3A_448 = arith.constant 17 : i32
      %mul3A_449 = vector.broadcast %mul3A_448 : i32 to vector<16xi32>
      %mul3A_450 = arith.muli %iota3A, %mul3A_449 : vector<16xi32>
      %add3A_451 = arith.constant 15 : i32
      %add3A_452 = vector.broadcast %add3A_451 : i32 to vector<16xi32>
      %add3A_453 = arith.addi %mul3A_450, %add3A_452 : vector<16xi32>
      tpu.vector_store_idx %arg9[%add3A_453], %add3A_447 : memref<272xf32, #tpu.memory_space<vmem>>[vector<16xi32>], vector<16xf32>,
      %get3A_454 = arith.constant 0 : index
      %get3A_455 = tpu.vector_load %arg9[%get3A_454] {strides = array<i32>} : memref<272xf32, #tpu.memory_space<vmem>>, vector<16xf32>,
      %get3A_456 = arith.constant 17 : index
      %get3A_457 = tpu.vector_load %arg9[%get3A_456] {strides = array<i32>} : memref<272xf32, #tpu.memory_space<vmem>>, vector<16xf32>,
      %add3A_458 = arith.addf %get3A_455, %get3A_457 : vector<16xf32>
      %get3A_459 = arith.constant 34 : index
      %get3A_460 = tpu.vector_load %arg9[%get3A_459] {strides = array<i32>} : memref<272xf32, #tpu.memory_space<vmem>>, vector<16xf32>,
      %add3A_461 = arith.addf %add3A_458, %get3A_460 : vector<16xf32>
      %get3A_462 = arith.constant 51 : index
      %get3A_463 = tpu.vector_load %arg9[%get3A_462] {strides = array<i32>} : memref<272xf32, #tpu.memory_space<vmem>>, vector<16xf32>,
      %add3A_464 = arith.addf %add3A_461, %get3A_463 : vector<16xf32>
      %get3A_465 = arith.constant 68 : index
      %get3A_466 = tpu.vector_load %arg9[%get3A_465] {strides = array<i32>} : memref<272xf32, #tpu.memory_space<vmem>>, vector<16xf32>,
      %add3A_467 = arith.addf %add3A_464, %get3A_466 : vector<16xf32>
      %get3A_468 = arith.constant 85 : index
      %get3A_469 = tpu.vector_load %arg9[%get3A_468] {strides = array<i32>} : memref<272xf32, #tpu.memory_space<vmem>>, vector<16xf32>,
      %add3A_470 = arith.addf %add3A_467, %get3A_469 : vector<16xf32>
      %get3A_471 = arith.constant 102 : index
      %get3A_472 = tpu.vector_load %arg9[%get3A_471] {strides = array<i32>} : memref<272xf32, #tpu.memory_space<vmem>>, vector<16xf32>,
      %add3A_473 = arith.addf %add3A_470, %get3A_472 : vector<16xf32>
      %get3A_474 = arith.constant 119 : index
      %get3A_475 = tpu.vector_load %arg9[%get3A_474] {strides = array<i32>} : memref<272xf32, #tpu.memory_space<vmem>>, vector<16xf32>,
      %add3A_476 = arith.addf %add3A_473, %get3A_475 : vector<16xf32>
      %get3A_477 = arith.constant 136 : index
      %get3A_478 = tpu.vector_load %arg9[%get3A_477] {strides = array<i32>} : memref<272xf32, #tpu.memory_space<vmem>>, vector<16xf32>,
      %add3A_479 = arith.addf %add3A_476, %get3A_478 : vector<16xf32>
      %get3A_480 = arith.constant 153 : index
      %get3A_481 = tpu.vector_load %arg9[%get3A_480] {strides = array<i32>} : memref<272xf32, #tpu.memory_space<vmem>>, vector<16xf32>,
      %add3A_482 = arith.addf %add3A_479, %get3A_481 : vector<16xf32>
      %get3A_483 = arith.constant 170 : index
      %get3A_484 = tpu.vector_load %arg9[%get3A_483] {strides = array<i32>} : memref<272xf32, #tpu.memory_space<vmem>>, vector<16xf32>,
      %add3A_485 = arith.addf %add3A_482, %get3A_484 : vector<16xf32>
      %get3A_486 = arith.constant 187 : index
      %get3A_487 = tpu.vector_load %arg9[%get3A_486] {strides = array<i32>} : memref<272xf32, #tpu.memory_space<vmem>>, vector<16xf32>,
      %add3A_488 = arith.addf %add3A_485, %get3A_487 : vector<16xf32>
      %get3A_489 = arith.constant 204 : index
      %get3A_490 = tpu.vector_load %arg9[%get3A_489] {strides = array<i32>} : memref<272xf32, #tpu.memory_space<vmem>>, vector<16xf32>,
      %add3A_491 = arith.addf %add3A_488, %get3A_490 : vector<16xf32>
      %get3A_492 = arith.constant 221 : index
      %get3A_493 = tpu.vector_load %arg9[%get3A_492] {strides = array<i32>} : memref<272xf32, #tpu.memory_space<vmem>>, vector<16xf32>,
      %add3A_494 = arith.addf %add3A_491, %get3A_493 : vector<16xf32>
      %get3A_495 = arith.constant 238 : index
      %get3A_496 = tpu.vector_load %arg9[%get3A_495] {strides = array<i32>} : memref<272xf32, #tpu.memory_space<vmem>>, vector<16xf32>,
      %add3A_497 = arith.addf %add3A_494, %get3A_496 : vector<16xf32>
      %get3A_498 = arith.constant 255 : index
      %get3A_499 = tpu.vector_load %arg9[%get3A_498] {strides = array<i32>} : memref<272xf32, #tpu.memory_space<vmem>>, vector<16xf32>,
      %add3A_500 = arith.addf %add3A_497, %get3A_499 : vector<16xf32>
      %swap3A = arith.index_cast %mul3A_21 : i32 to index
      %swap3A_501 = tpu.vector_load %arg10[%swap3A] {strides = array<i32>} : memref<512xf32, #tpu.memory_space<vmem>>, vector<16xf32>,
      tpu.vector_store %arg10[%swap3A], %add3A_500 {strides = array<i32>} : memref<512xf32, #tpu.memory_space<vmem>>, vector<16xf32>,
    }
    %scan3A_18 = arith.constant 32 : i32
    "tpu.region"() ({
      %run_scoped3A = tpu.sem_alloc : memref<!tpu.dma_semaphore, #tpu.memory_space<semaphore_mem>>
      %dma_start3A_19 = tpu.memref_slice %arg5[%mul3A_2] : memref<16384xf32, #tpu.memory_space<hbm>> -> memref<512xf32, #tpu.memory_space<hbm>>
      %dma_start3A_20 = tpu.memref_slice %arg5[%mul3A_2] : memref<16384xf32, #tpu.memory_space<hbm>> -> memref<512xf32, #tpu.memory_space<hbm>>
      tpu.enqueue_dma source(%arg10 : memref<512xf32, #tpu.memory_space<vmem>>) target(%dma_start3A_20 : memref<512xf32, #tpu.memory_space<hbm>>) target_semaphore(%run_scoped3A : memref<!tpu.dma_semaphore, #tpu.memory_space<semaphore_mem>>)
      %dma_wait3A_21 = tpu.memref_slice %arg5[%mul3A_2] : memref<16384xf32, #tpu.memory_space<hbm>> -> memref<512xf32, #tpu.memory_space<hbm>>
      %dma_wait3A_22 = tpu.memref_slice %arg5[%mul3A_2] : memref<16384xf32, #tpu.memory_space<hbm>> -> memref<512xf32, #tpu.memory_space<hbm>>
      tpu.wait_dma2 semaphore(%run_scoped3A : memref<!tpu.dma_semaphore, #tpu.memory_space<semaphore_mem>>) src(%arg10 : memref<512xf32, #tpu.memory_space<vmem>>) dst(%dma_wait3A_22 : memref<512xf32, #tpu.memory_space<hbm>>)
      tpu.yield
    }) : () -> ()
    return
  }
}

</mosaic_0001>

<sc_bundles>
// kernel: _run.3.cloned.1.call-start
scs
__scs_entry_jumppad:
0x0: {  	(pc) =	sbr.rel $0x88, $3  }
0x1: {  	(tag) =	ssettag $0x0;
	lr =	simm.s32 $0x1  }
0x2: {  	[smem:$0x3F9E] =	sst lr;
	_ =	strace $0xD0000000  }
0x3: {  	_ = 	snop  }
0x4: {  	_ = 	snop  }
0x5: {  	_ = 	snop  }
0x6: {  	_ = 	snop  }
0x7: {  	_ = 	snop  }
__scs_overlays_trampoline_lowered:
0x8: {  	[smem:$0x3FAD] =	sst s0  }
0x9: {  	[smem:$0x3FAE] =	sst s1  }
0xa: {  	[smem:$0x3FAF] =	sst s2  }
0xb: {  	[smem:$0x3FB0] =	sst s3  }
0xc: {  	[smem:$0x3FB1] =	sst s4  }
0xd: {  	[smem:$0x3FB2] =	sst s5  }
0xe: {  	[smem:$0x3FB3] =	sst s6  }
0xf: {  	[smem:$0x3FB4] =	sst s7  }
0x10: {  	[smem:$0x3FB5] =	sst s8  }
0x11: {  	[smem:$0x3FB6] =	sst s9;
	s0 =	simm.s32 @!p0 $0x0  }
0x12: {  	s1 =	sld [smem:$0x3F9C];
	s0 =	simm.s32 @p0 $0x1  }
0x13: {  	[smem:$0x3FB7] =	sst s0;
	s0 =	simm.s32 @!p1 $0x0  }
0x14: {  	s2 =	sld [smem:$0x3F9B];
	s0 =	simm.s32 @p1 $0x1  }
0x15: {  	[smem:$0x3FB8] =	sst s0;
	s0 =	simm.s32 @!p2 $0x0  }
0x16: {  	s3 =	sld [smem:$0x3FDB];
	s0 =	simm.s32 @p2 $0x1  }
0x17: {  	s4 =	simm.s32 $0x1BF5;
	[smem:$0x3FBA] =	sst s0  }
0x18: {  	s0 =	sld [smem:$0x3F9D];
	_ =	swait.ge [sflag:s4], $0x0  }
0x19: {  	s7 =	sld [smem:$0x3F9E]  }
0x1a: {  	s8 =	sadd.s32 $0xFFFFE003, lr  }
0x1b: {  	s9 =	sadd.s32 $0xFFFFFEF7, lr;
	s5 =	simm.s32 $0xFFFFFFFF;
	p2 =	slt.u32 s8, $0xFFFFF086  }
0x1c: {  	p1 =	slt.u32 s9, $0xF7A;
	s5 =	simm.s32 @!p2 $0x0  }
0x1d: {  	s5 =	simm.s32 @p1 $0x1;
	p0 =	seq.s32 s7, s2  }
0x1e: {  	s7 =	smul.u32 @!p0 $0xF7A, s2;
	p2 =	seq.s32 @!p0 s5, $0x0  }
0x1f: {  	s9 =	smul.u32 $0xF7A, s1;
	s8 =	simm.s32 @!p0 $0x1BF5;
	p2 =	por !p2, p0  }
0x20: {  	[sflag:s8] =	ssyncset.s32 @!p0 $0xFFFFF086;
	s6 =	sadd.s32 @!p0 s3, s7;
	s7 =	simm.s32 @!p0 $0x108  }
0x21: {  	s3 =	sadd.s32 s3, s9;
	s6 =	sadd.s32 @!p0 $0x88, s6;
	s7 =	simm.s32 @p2 $0x1082  }
0x22: {  	[simem:s7], [sflag:s8] =	dma.local @!p0 [hbm:s6], $0xF7A  }
0x23: {  	s9 =	sor.u32 $0xD0000000, s2;
	s6 =	simm.s32 $0x108;
	_ =	swait.ge @!p0 [sflag:s8], $0x0  }
0x24: {  	s3 =	sadd.s32 $0x88, s3;
	s6 =	simm.s32 @!p1 $0x1082;
	[sflag:s4] =	ssyncset.s32 $0xFFFFF086  }
0x25: {  	[simem:s6], [sflag:s4] =	dma.local [hbm:s3], $0xF7A  }
0x26: {  	[smem:$0x3F9E] =	sst s1;
	(tag) =	ssettag s2;
	_ =	strace s9  }
0x27: {  	s1 =	sld [smem:$0x3FAE]  }
0x28: {  	s2 =	sld [smem:$0x3FAF]  }
0x29: {  	s4 =	sld [smem:$0x3FB1]  }
0x2a: {  	p0 =	seq.s32 s5, $0x0;
	s5 =	sld [smem:$0x3FB2]  }
0x2b: {  	s6 =	sld [smem:$0x3FB3]  }
0x2c: {  	s7 =	sld [smem:$0x3FB4]  }
0x2d: {  	s3 =	simm.s32 $0x108;
	s8 =	sld [smem:$0x3FB5]  }
0x2e: {  	s3 =	simm.s32 @!p0 $0x1082;
	s9 =	sld [smem:$0x3FB6]  }
0x2f: {  	lr =	sadd.s32 s0, s3;
	s0 =	sld [smem:$0x3FAD]  }
0x30: {  	s3 =	sld [smem:$0x3FB0]  }
0x31: {  	[smem:$0x3FB9] =	sst s10  }
0x32: {  	s10 =	sld [smem:$0x3FB7];
	_ =	sdelay $0x3  }
0x33: {  	p0 =	seq.s32 s10, $0x1;
	s10 =	sld [smem:$0x3FB9];
	_ =	sdelay $0x3  }
0x34: {  	[smem:$0x3FB9] =	sst s10  }
0x35: {  	s10 =	sld [smem:$0x3FB8];
	_ =	sdelay $0x3  }
0x36: {  	p1 =	seq.s32 s10, $0x1;
	s10 =	sld [smem:$0x3FB9];
	_ =	sdelay $0x3  }
0x37: {  	[smem:$0x3FB9] =	sst s10  }
0x38: {  	s10 =	sld [smem:$0x3FBA]  }
0x39: {  	_ = 	snop;
	(pc) =	sbr.ind lr, $3  }
0x3a: {  	_ = 	snop  }
0x3b: {  	_ = 	snop  }
0x3c: {  	p2 =	seq.s32 s10, $0x1;
	s10 =	sld [smem:$0x3FB9]  }
0x3d: {  	_ =	shalt  }
0x3e: {  	_ =	shalt  }
0x3f: {  	_ =	shalt  }
0x40: {  	_ =	shalt  }
0x41: {  	_ =	shalt  }
0x42: {  	_ =	shalt  }
0x43: {  	_ =	shalt  }
0x44: {  	_ =	shalt  }
0x45: {  	_ =	shalt  }
0x46: {  	_ =	shalt  }
0x47: {  	_ =	shalt  }
0x48: {  	_ =	shalt  }
0x49: {  	_ =	shalt  }
0x4a: {  	_ =	shalt  }
0x4b: {  	_ =	shalt  }
0x4c: {  	_ =	shalt  }
0x4d: {  	_ =	shalt  }
0x4e: {  	_ =	shalt  }
0x4f: {  	_ =	shalt  }
0x50: {  	_ =	shalt  }
0x51: {  	_ =	shalt  }
0x52: {  	_ =	shalt  }
0x53: {  	_ =	shalt  }
0x54: {  	_ =	shalt  }
0x55: {  	_ =	shalt  }
0x56: {  	_ =	shalt  }
0x57: {  	_ =	shalt  }
0x58: {  	_ =	shalt  }
0x59: {  	_ =	shalt  }
0x5a: {  	_ =	shalt  }
0x5b: {  	_ =	shalt  }
0x5c: {  	_ =	shalt  }
0x5d: {  	_ =	shalt  }
0x5e: {  	_ =	shalt  }
0x5f: {  	_ =	shalt  }
0x60: {  	_ =	shalt  }
0x61: {  	_ =	shalt  }
0x62: {  	_ =	shalt  }
0x63: {  	_ =	shalt  }
0x64: {  	_ =	shalt  }
0x65: {  	_ =	shalt  }
0x66: {  	_ =	shalt  }
0x67: {  	_ =	shalt  }
0x68: {  	_ =	shalt  }
0x69: {  	_ =	shalt  }
0x6a: {  	_ =	shalt  }
0x6b: {  	_ =	shalt  }
0x6c: {  	_ =	shalt  }
0x6d: {  	_ =	shalt  }
0x6e: {  	_ =	shalt  }
0x6f: {  	_ =	shalt  }
0x70: {  	_ =	shalt  }
0x71: {  	_ =	shalt  }
0x72: {  	_ =	shalt  }
0x73: {  	_ =	shalt  }
0x74: {  	_ =	shalt  }
0x75: {  	_ =	shalt  }
0x76: {  	_ =	shalt  }
0x77: {  	_ =	shalt  }
0x78: {  	_ =	shalt  }
0x79: {  	_ =	shalt  }
0x7a: {  	_ =	shalt  }
0x7b: {  	_ =	shalt  }
0x7c: {  	_ =	shalt  }
0x7d: {  	_ =	shalt  }
0x7e: {  	_ =	shalt  }
0x7f: {  	_ =	shalt  }
0x80: {  	_ =	shalt  }
0x81: {  	_ =	shalt  }
0x82: {  	_ =	shalt  }
0x83: {  	_ =	shalt  }
0x84: {  	_ =	shalt  }
0x85: {  	_ =	shalt  }
0x86: {  	_ =	shalt  }
0x87: {  	_ =	shalt  }
.Lfunc_end0:
.L_simem_size_0:
called_computation_lowered:
.L_overlay_start_0:
0x88: {  	s2 =	sld [smem:$0x3FD9]  }
0x89: {  	s3 =	sld [smem:$0x3FFE];
	_ =	sdelay $0x1  }
0x8a: {  	s1 =	srdreg.scid  }
0x8b: {  	s0 =	sand.u32 $0x1, s1  }
0x8c: {  	s17 =	sshll.u32 s0, $0xA;
	s2 =	sadd.s32 s3, s2  }
0x8d: {  	s2 =	sadd.s32 s2, s17  }
0x8e: {  	[smem:$0x3FC5] =	sst s2  }
0x8f: {  	_ = 	snop  }
0x90: {  	s2 =	sld [smem:$0x3FC9]  }
0x91: {  	s18 =	sld [smem:$0x3FC8]  }
0x92: {  	s4 =	sld [smem:$0x3FD0];
	(tm) =	ssettm $0x1  }
0x93: {  	s5 =	sld [smem:$0x3FFB];
	_ =	sdelay $0x3  }
0x94: {  	_ =	strace s5  }
0x95: {  	s5 =	sld [smem:$0x3FFC];
	_ =	sdelay $0x3  }
0x96: {  	_ =	strace s5  }
0x97: {  	s5 =	sld [smem:$0x3FFD];
	_ =	sdelay $0x3  }
0x98: {  	_ =	strace s5  }
0x99: {  	_ =	strace $0x8FFFFFFF  }
0x9a: {  	s19 =	sld [smem:$0x3FDB];
	_ =	sdelay $0x1  }
0x9b: {  	s6 =	simm.s32 $_scs_section_size  }
0x9c: {  	s7 =	simm.s32 $_size__tile_overlayer_lowered;
	s8 =	simm.s32 $_tile_overlayer_lowered  }
0x9d: {  	s22 =	simm.s32 $0x1BFF;
	s21 =	sshll.u32 s8, $0x1;
	s5 =	sadd.s32 s6, s19  }
0x9e: {  	s9 =	simm.s32 $0x0;
	s20 =	sshll.u32 s7, $0x1;
	s7 =	sadd.s32 s21, s5  }
0x9f: {  	[timem:s9], [sflag:s22] =	dma.local [hbm:s7], s20  }
0xa0: {  	_ =	swait.ge [sflag:s22], s20  }
0xa1: {  	s6 =	ssub.s32 $0x0, s20;
	[sflag:s22] =	ssyncset.done $0x0  }
0xa2: {  	[sflag:s22] =	ssyncadd.s32 s6;
	_ =	sdelay $0x1  }
0xa3: {  	s23 =	simm.s32 $0x1B8B  }
0xa4: {  	_ =	swait.ge [sflag:s23], $0x1  }
0xa5: {  	[sflag:s23] =	ssyncset.done $0x0  }
0xa6: {  	s25 =	simm.s32 $0x1B8E;
	s24 =	sld [smem:$0x3FFE];
	[sflag:s23] =	ssyncadd.s32 $0xFFFFFFFF  }
0xa7: {  	s26 =	simm.s32 $execute0_lowered;
	[smem:$0x3FD2] =	sst s25  }
0xa8: {  	s7 =	sshll.u32 s26, $0x1;
	_ =	strace $0x80000046;
	[dreg:$0x1] =	wrdreg $0xFFFFFFFF  }
0xa9: {  	s28 =	simm.s32 $_size_execute0_lowered;
	s5 =	sadd.s32 s5, s7;
	[dreg:$0x0] =	wrdreg $0x0  }
0xaa: {  	s7 =	sshll.u32 s28, $0x1;
	[dreg:$0x2] =	wrdreg s5  }
0xab: {  	[dreg:$0x3] =	wrdreg s7  }
0xac: {  	[dreg:$0x4] =	wrdreg $0xC0  }
0xad: {  	_ =	task [dreg:s9], $0x5FFFF  }
0xae: {  	[dreg:$0x1] =	wrdreg $0xFFFFFFFF  }
0xaf: {  	[dreg:$0x0] =	wrdreg $0x60  }
0xb0: {  	[dreg:$0x2] =	wrdreg s2  }
0xb1: {  	[dreg:$0x3] =	wrdreg s18  }
0xb2: {  	[dreg:$0x4] =	wrdreg s24  }
0xb3: {  	[dreg:$0x5] =	wrdreg s4  }
0xb4: {  	[dreg:$0x6] =	wrdreg $0x9  }
0xb5: {  	_ =	task.clear_ibuf [dreg:s9], $0x7FFFF;
	_ =	strace $0x90000046  }
0xb6: {  	s29 =	simm.s32 $0x9;
	_ =	strace $0x80000048  }
0xb7: {  	_ =	swait.ge [sflag:s29], $0x1  }
0xb8: {  	[sflag:s29] =	ssyncadd.s32 $0xFFFFFFFF  }
0xb9: {  	_ =	strace $0x90000048  }
0xba: {  	_ =	sfence  }
0xbb: {  	s30 =	sld [smem:$0x0];
	_ =	sdelay $0x2  }
0xbc: {  	s31 =	sshll.u32 s1, $0xD;
	s1 =	sshrl.u32 s1, $0x2  }
0xbd: {  	s3 =	sand.u32 $0x4000, s31;
	s1 =	sadd.s32 s1, s30  }
0xbe: {  	s0 =	sor.u32 s3, s0;
	s1 =	sshll.u32 s1, $0x11  }
0xbf: {  	s0 =	sor.u32 s1, s0  }
0xc0: {  	s0 =	sadd.s32 $0x8F2B, s0  }
0xc1: {  	[sflag:s0] =	ssyncadd.remote.s32 $0x1  }
0xc2: {  	_ =	sfence.sel $0xFFFF  }
0xc3: {  	[dreg:$0x0] =	wrdreg $0xFFFFFFFF;
	(pc) =	sbr.abs _section_cstart, $3  }
0xc4: {  	[dreg:$0x1] =	wrdreg $0xFFFFFFFF  }
0xc5: {  	_ =	task.clear_ibuf [dreg:s9], $0x2FFFF;
	_ =	strace $0x9FFFFFFF  }
0xc6: {  	(tm) =	ssettm $0x7FFFFFFF  }
0xc7: {  	_ =	shalt  }
tec
execute0_lowered:
.L_overlay_start_1:
0x0: {  	(tag) =	ssettag $0x1  }
0x1: {  	s5 =	rddreg [dreg:$0x0]  }
0x2: {  	s1 =	rddreg [dreg:$0x1]  }
0x3: {  	s4 =	rddreg [dreg:$0x2]  }
0x4: {  	s6 =	rddreg [dreg:$0x3]  }
0x5: {  	s0 =	rddreg [dreg:$0x4];
	s3 =	simm.s32 $0x0;
	s7 =	srdreg.scid;
	v0 =	vlaneseq.u32  }
0x6: {  	s2 =	stileid.u32;
	s11 =	simm.s32 $0x1;
	s12 =	simm.s32 $0x8240;
	v0 =	vmul.u32 $0x11, v0  }
0x7: {  	s13 =	simm.s32 $0x8350;
	s14 =	simm.s32 $0x0;
	[smem:$0x7FF] =	sst s3  }
0x8: {  	s7 =	sand.u32 $0x1, s7;
	s9 =	sshll.u32 s2, $0x7;
	s4 =	sadd.s32 $0xF42800, s4;
	v1 =	vadd.s32 $0x1, v0;
	v2 =	vadd.s32 $0x2, v0;
	v3 =	vadd.s32 $0x3, v0  }
0x9: {  	s8 =	ssub.s32 $0x2, s7;
	s7 =	sshll.u32 s7, $0x6;
	_ =	strace $0x80000047;
	v4 =	vadd.s32 $0x4, v0;
	v5 =	vadd.s32 $0x5, v0;
	v6 =	vadd.s32 $0x6, v0  }
0xa: {  	s10 =	sshrl.u32 s8, $0x1;
	s7 =	sor.u32 s7, s9;
	v7 =	vadd.s32 $0x7, v0;
	v8 =	vadd.s32 $0x8, v0;
	v9 =	vadd.s32 $0x9, v0;
	s9 =	simm.s32 $0x8200  }
0xb: {  	v10 =	vadd.s32 $0xA, v0;
	v11 =	vadd.s32 $0xB, v0;
	v12 =	vadd.s32 $0xC, v0;
	s8 =	ssub.s32 s8, s10;
	s5 =	sadd.s32 s5, s7;
	s6 =	sadd.s32 s6, s7  }
0xc: {  	v13 =	vadd.s32 $0xD, v0;
	v14 =	vadd.s32 $0xE, v0;
	v15 =	vadd.s32 $0xF, v0;
	s10 =	simm.s32 $0x200;
	s7 =	smax.u32 s8, $0x1;
	s8 =	simm.s32 $0x2  }
.LBB2_1:
0xd: {  	[tilespmem:s3], [sflag:$0x2] =	stream.linear.gather [hbm4b:s5+s3], $0x200, $0x38;
	[tilespmem:$0x8550] =	vst v63  }
0xe: {  	_ =	swait.ge [sflag:s8], $0x200  }
0xf: {  	[sflag:s8] =	ssyncset.done $0x0  }
0x10: {  	[sflag:s8] =	ssyncadd.s32 $0xFFFFFE00  }
0x11: {  	[tilespmem:s9], [sflag:$0x2] =	stream.linear.gather [hbm4b:s1+s3], $0x40, $0x38;
	[tilespmem:$0x8550] =	vst v63  }
0x12: {  	_ =	swait.ge [sflag:s8], $0x40  }
0x13: {  	[sflag:s8] =	ssyncset.done $0x0  }
0x14: {  	[sflag:s8] =	ssyncadd.s32 $0xFFFFFFC0  }
0x15: {  	[tilespmem:s10], [sflag:$0x1] =	stream.indirect.gather [hbm4b:s4+s10], $0x40, s3, s10, $0xb8;
	[tilespmem:$0x8550] =	vst v63  }
0x16: {  	_ =	swait.ge [sflag:s11], $0x8000  }
0x17: {  	[sflag:s11] =	ssyncset.done $0x0  }
0x18: {  	[sflag:s11] =	ssyncadd.s32 $0xFFFF8000  }
0x19: {  	v16 =	vld [tilespmem:$0x8200]  }
0x1a: {  	s15 =	simm.s32 $0x400;
	v17 =	vld [tilespmem:$0x8210]  }
0x1b: {  	v20 =	vld [tilespmem:s15+$0xFFFFFE00]  }
0x1c: {  	v21 =	vld [tilespmem:s15+$0xFFFFFE10]  }
0x1d: {  	v18 =	vld [tilespmem:$0x8220]  }
0x1e: {  	v22 =	vld [tilespmem:s15+$0xFFFFFE20]  }
0x1f: {  	v19 =	vld [tilespmem:$0x8230]  }
0x20: {  	v23 =	vld [tilespmem:s15+$0xFFFFFE30]  }
0x21: {  	v20 =	vmul.f32 v20, v16;
	v21 =	vmul.f32 v21, v17;
	_ =	sdelay $0x1  }
0x22: {  	v20 =	vadd.f32 v21, v20;
	v21 =	vmul.f32 v22, v18;
	_ =	sdelay $0x1  }
0x23: {  	v22 =	vmul.f32 v23, v19;
	v20 =	vadd.f32 v21, v20;
	_ =	sdelay $0x1  }
0x24: {  	v20 =	vadd.f32 v22, v20;
	_ =	sdelay $0x1  }
0x25: {  	[tilespmem:v0+s12+$0x0] =	vst.idx.msk $0xffff, v20  }
0x26: {  	v20 =	vld [tilespmem:s15+$0xFFFFFE40]  }
0x27: {  	v21 =	vld [tilespmem:s15+$0xFFFFFE50];
	_ =	sdelay $0x1  }
0x28: {  	v22 =	vld [tilespmem:s15+$0xFFFFFE60];
	_ =	sdelay $0x1  }
0x29: {  	v23 =	vld [tilespmem:s15+$0xFFFFFE70]  }
0x2a: {  	v20 =	vmul.f32 v20, v16;
	v21 =	vmul.f32 v21, v17;
	_ =	sdelay $0x1  }
0x2b: {  	v20 =	vadd.f32 v21, v20;
	v21 =	vmul.f32 v22, v18;
	_ =	sdelay $0x1  }
0x2c: {  	v20 =	vadd.f32 v21, v20;
	v21 =	vmul.f32 v23, v19;
	_ =	sdelay $0x1  }
0x2d: {  	v20 =	vadd.f32 v21, v20;
	_ =	sdelay $0x1  }
0x2e: {  	[tilespmem:v1+s12+$0x0] =	vst.idx.msk $0xffff, v20  }
0x2f: {  	v20 =	vld [tilespmem:s15+$0xFFFFFE80]  }
0x30: {  	v21 =	vld [tilespmem:s15+$0xFFFFFE90];
	_ =	sdelay $0x1  }
0x31: {  	v22 =	vld [tilespmem:s15+$0xFFFFFEA0];
	_ =	sdelay $0x1  }
0x32: {  	v23 =	vld [tilespmem:s15+$0xFFFFFEB0]  }
0x33: {  	v20 =	vmul.f32 v20, v16;
	v21 =	vmul.f32 v21, v17;
	_ =	sdelay $0x1  }
0x34: {  	v20 =	vadd.f32 v21, v20;
	v21 =	vmul.f32 v22, v18;
	_ =	sdelay $0x1  }
0x35: {  	v20 =	vadd.f32 v21, v20;
	v21 =	vmul.f32 v23, v19;
	_ =	sdelay $0x1  }
0x36: {  	v20 =	vadd.f32 v21, v20;
	_ =	sdelay $0x1  }
0x37: {  	[tilespmem:v2+s12+$0x0] =	vst.idx.msk $0xffff, v20  }
0x38: {  	v20 =	vld [tilespmem:s15+$0xFFFFFEC0]  }
0x39: {  	v21 =	vld [tilespmem:s15+$0xFFFFFED0];
	_ =	sdelay $0x1  }
0x3a: {  	v22 =	vld [tilespmem:s15+$0xFFFFFEE0];
	_ =	sdelay $0x1  }
0x3b: {  	v23 =	vld [tilespmem:s15+$0xFFFFFEF0]  }
0x3c: {  	v20 =	vmul.f32 v20, v16;
	v21 =	vmul.f32 v21, v17;
	_ =	sdelay $0x1  }
0x3d: {  	v20 =	vadd.f32 v21, v20;
	v21 =	vmul.f32 v22, v18;
	_ =	sdelay $0x1  }
0x3e: {  	v20 =	vadd.f32 v21, v20;
	v21 =	vmul.f32 v23, v19;
	_ =	sdelay $0x1  }
0x3f: {  	v20 =	vadd.f32 v21, v20;
	_ =	sdelay $0x1  }
0x40: {  	[tilespmem:v3+s12+$0x0] =	vst.idx.msk $0xffff, v20  }
0x41: {  	v20 =	vld [tilespmem:s15+$0xFFFFFF00]  }
0x42: {  	v21 =	vld [tilespmem:s15+$0xFFFFFF10];
	_ =	sdelay $0x1  }
0x43: {  	v22 =	vld [tilespmem:s15+$0xFFFFFF20];
	_ =	sdelay $0x1  }
0x44: {  	v23 =	vld [tilespmem:s15+$0xFFFFFF30]  }
0x45: {  	v20 =	vmul.f32 v20, v16;
	v21 =	vmul.f32 v21, v17;
	_ =	sdelay $0x1  }
0x46: {  	v20 =	vadd.f32 v21, v20;
	v21 =	vmul.f32 v22, v18;
	_ =	sdelay $0x1  }
0x47: {  	v20 =	vadd.f32 v21, v20;
	v21 =	vmul.f32 v23, v19;
	_ =	sdelay $0x1  }
0x48: {  	v20 =	vadd.f32 v21, v20;
	_ =	sdelay $0x1  }
0x49: {  	[tilespmem:v4+s12+$0x0] =	vst.idx.msk $0xffff, v20  }
0x4a: {  	v20 =	vld [tilespmem:s15+$0xFFFFFF40]  }
0x4b: {  	v21 =	vld [tilespmem:s15+$0xFFFFFF50];
	_ =	sdelay $0x1  }
0x4c: {  	v22 =	vld [tilespmem:s15+$0xFFFFFF60];
	_ =	sdelay $0x1  }
0x4d: {  	v23 =	vld [tilespmem:s15+$0xFFFFFF70]  }
0x4e: {  	v20 =	vmul.f32 v20, v16;
	v21 =	vmul.f32 v21, v17;
	_ =	sdelay $0x1  }
0x4f: {  	v20 =	vadd.f32 v21, v20;
	v21 =	vmul.f32 v22, v18;
	_ =	sdelay $0x1  }
0x50: {  	v20 =	vadd.f32 v21, v20;
	v21 =	vmul.f32 v23, v19;
	_ =	sdelay $0x1  }
0x51: {  	v20 =	vadd.f32 v21, v20;
	_ =	sdelay $0x1  }
0x52: {  	[tilespmem:v5+s12+$0x0] =	vst.idx.msk $0xffff, v20  }
0x53: {  	v20 =	vld [tilespmem:s15+$0xFFFFFF80]  }
0x54: {  	v21 =	vld [tilespmem:s15+$0xFFFFFF90];
	_ =	sdelay $0x1  }
0x55: {  	v22 =	vld [tilespmem:s15+$0xFFFFFFA0];
	_ =	sdelay $0x1  }
0x56: {  	v23 =	vld [tilespmem:s15+$0xFFFFFFB0]  }
0x57: {  	v20 =	vmul.f32 v20, v16;
	v21 =	vmul.f32 v21, v17;
	_ =	sdelay $0x1  }
0x58: {  	v20 =	vadd.f32 v21, v20;
	v21 =	vmul.f32 v22, v18;
	_ =	sdelay $0x1  }
0x59: {  	v20 =	vadd.f32 v21, v20;
	v21 =	vmul.f32 v23, v19;
	_ =	sdelay $0x1  }
0x5a: {  	v20 =	vadd.f32 v21, v20;
	_ =	sdelay $0x1  }
0x5b: {  	[tilespmem:v6+s12+$0x0] =	vst.idx.msk $0xffff, v20  }
0x5c: {  	v20 =	vld [tilespmem:s15+$0xFFFFFFC0]  }
0x5d: {  	v21 =	vld [tilespmem:s15+$0xFFFFFFD0];
	_ =	sdelay $0x1  }
0x5e: {  	v22 =	vld [tilespmem:s15+$0xFFFFFFE0];
	_ =	sdelay $0x1  }
0x5f: {  	v23 =	vld [tilespmem:s15+$0xFFFFFFF0]  }
0x60: {  	v20 =	vmul.f32 v20, v16;
	v21 =	vmul.f32 v21, v17;
	_ =	sdelay $0x1  }
0x61: {  	v20 =	vadd.f32 v21, v20;
	v21 =	vmul.f32 v22, v18;
	_ =	sdelay $0x1  }
0x62: {  	v20 =	vadd.f32 v21, v20;
	v21 =	vmul.f32 v23, v19;
	_ =	sdelay $0x1  }
0x63: {  	v20 =	vadd.f32 v21, v20;
	_ =	sdelay $0x1  }
0x64: {  	[tilespmem:v7+s12+$0x0] =	vst.idx.msk $0xffff, v20  }
0x65: {  	v20 =	vld [tilespmem:s15+$0x0]  }
0x66: {  	v21 =	vld [tilespmem:s15+$0x10];
	_ =	sdelay $0x1  }
0x67: {  	v22 =	vld [tilespmem:s15+$0x20];
	_ =	sdelay $0x1  }
0x68: {  	v23 =	vld [tilespmem:s15+$0x30]  }
0x69: {  	v20 =	vmul.f32 v20, v16;
	v21 =	vmul.f32 v21, v17;
	_ =	sdelay $0x1  }
0x6a: {  	v20 =	vadd.f32 v21, v20;
	v21 =	vmul.f32 v22, v18;
	_ =	sdelay $0x1  }
0x6b: {  	v20 =	vadd.f32 v21, v20;
	v21 =	vmul.f32 v23, v19;
	_ =	sdelay $0x1  }
0x6c: {  	v20 =	vadd.f32 v21, v20;
	_ =	sdelay $0x1  }
0x6d: {  	[tilespmem:v8+s12+$0x0] =	vst.idx.msk $0xffff, v20  }
0x6e: {  	v20 =	vld [tilespmem:s15+$0x40]  }
0x6f: {  	v21 =	vld [tilespmem:s15+$0x50];
	_ =	sdelay $0x1  }
0x70: {  	v22 =	vld [tilespmem:s15+$0x60];
	_ =	sdelay $0x1  }
0x71: {  	v23 =	vld [tilespmem:s15+$0x70]  }
0x72: {  	v20 =	vmul.f32 v20, v16;
	v21 =	vmul.f32 v21, v17;
	_ =	sdelay $0x1  }
0x73: {  	v20 =	vadd.f32 v21, v20;
	v21 =	vmul.f32 v22, v18;
	_ =	sdelay $0x1  }
0x74: {  	v20 =	vadd.f32 v21, v20;
	v21 =	vmul.f32 v23, v19;
	_ =	sdelay $0x1  }
0x75: {  	v20 =	vadd.f32 v21, v20;
	_ =	sdelay $0x1  }
0x76: {  	[tilespmem:v9+s12+$0x0] =	vst.idx.msk $0xffff, v20  }
0x77: {  	v20 =	vld [tilespmem:s15+$0x80]  }
0x78: {  	v21 =	vld [tilespmem:s15+$0x90];
	_ =	sdelay $0x1  }
0x79: {  	v22 =	vld [tilespmem:s15+$0xA0];
	_ =	sdelay $0x1  }
0x7a: {  	v23 =	vld [tilespmem:s15+$0xB0]  }
0x7b: {  	v20 =	vmul.f32 v20, v16;
	v21 =	vmul.f32 v21, v17;
	_ =	sdelay $0x1  }
0x7c: {  	v20 =	vadd.f32 v21, v20;
	v21 =	vmul.f32 v22, v18;
	_ =	sdelay $0x1  }
0x7d: {  	v20 =	vadd.f32 v21, v20;
	v21 =	vmul.f32 v23, v19;
	_ =	sdelay $0x1  }
0x7e: {  	v20 =	vadd.f32 v21, v20;
	_ =	sdelay $0x1  }
0x7f: {  	[tilespmem:v10+s12+$0x0] =	vst.idx.msk $0xffff, v20  }
0x80: {  	v20 =	vld [tilespmem:s15+$0xC0]  }
0x81: {  	v21 =	vld [tilespmem:s15+$0xD0];
	_ =	sdelay $0x1  }
0x82: {  	v22 =	vld [tilespmem:s15+$0xE0];
	_ =	sdelay $0x1  }
0x83: {  	v23 =	vld [tilespmem:s15+$0xF0]  }
0x84: {  	v20 =	vmul.f32 v20, v16;
	v21 =	vmul.f32 v21, v17;
	_ =	sdelay $0x1  }
0x85: {  	v20 =	vadd.f32 v21, v20;
	v21 =	vmul.f32 v22, v18;
	_ =	sdelay $0x1  }
0x86: {  	v20 =	vadd.f32 v21, v20;
	v21 =	vmul.f32 v23, v19;
	_ =	sdelay $0x1  }
0x87: {  	v20 =	vadd.f32 v21, v20;
	_ =	sdelay $0x1  }
0x88: {  	[tilespmem:v11+s12+$0x0] =	vst.idx.msk $0xffff, v20  }
0x89: {  	v20 =	vld [tilespmem:s15+$0x100]  }
0x8a: {  	v21 =	vld [tilespmem:s15+$0x110];
	_ =	sdelay $0x1  }
0x8b: {  	v22 =	vld [tilespmem:s15+$0x120];
	_ =	sdelay $0x1  }
0x8c: {  	v23 =	vld [tilespmem:s15+$0x130]  }
0x8d: {  	v20 =	vmul.f32 v20, v16;
	v21 =	vmul.f32 v21, v17;
	_ =	sdelay $0x1  }
0x8e: {  	v20 =	vadd.f32 v21, v20;
	v21 =	vmul.f32 v22, v18;
	_ =	sdelay $0x1  }
0x8f: {  	v20 =	vadd.f32 v21, v20;
	v21 =	vmul.f32 v23, v19;
	_ =	sdelay $0x1  }
0x90: {  	v20 =	vadd.f32 v21, v20;
	_ =	sdelay $0x1  }
0x91: {  	[tilespmem:v12+s12+$0x0] =	vst.idx.msk $0xffff, v20  }
0x92: {  	v20 =	vld [tilespmem:s15+$0x140]  }
0x93: {  	v21 =	vld [tilespmem:s15+$0x150];
	_ =	sdelay $0x1  }
0x94: {  	v22 =	vld [tilespmem:s15+$0x160];
	_ =	sdelay $0x1  }
0x95: {  	v23 =	vld [tilespmem:s15+$0x170]  }
0x96: {  	v20 =	vmul.f32 v20, v16;
	v21 =	vmul.f32 v21, v17;
	_ =	sdelay $0x1  }
0x97: {  	v20 =	vadd.f32 v21, v20;
	v21 =	vmul.f32 v22, v18;
	_ =	sdelay $0x1  }
0x98: {  	v20 =	vadd.f32 v21, v20;
	v21 =	vmul.f32 v23, v19;
	_ =	sdelay $0x1  }
0x99: {  	v20 =	vadd.f32 v21, v20;
	_ =	sdelay $0x1  }
0x9a: {  	[tilespmem:v13+s12+$0x0] =	vst.idx.msk $0xffff, v20  }
0x9b: {  	v20 =	vld [tilespmem:s15+$0x180]  }
0x9c: {  	v21 =	vld [tilespmem:s15+$0x190];
	_ =	sdelay $0x1  }
0x9d: {  	v22 =	vld [tilespmem:s15+$0x1A0];
	_ =	sdelay $0x1  }
0x9e: {  	v23 =	vld [tilespmem:s15+$0x1B0]  }
0x9f: {  	v20 =	vmul.f32 v20, v16;
	v21 =	vmul.f32 v21, v17;
	_ =	sdelay $0x1  }
0xa0: {  	v20 =	vadd.f32 v21, v20;
	v21 =	vmul.f32 v22, v18;
	_ =	sdelay $0x1  }
0xa1: {  	v20 =	vadd.f32 v21, v20;
	v21 =	vmul.f32 v23, v19;
	_ =	sdelay $0x1  }
0xa2: {  	v20 =	vadd.f32 v21, v20;
	_ =	sdelay $0x1  }
0xa3: {  	[tilespmem:v14+s12+$0x0] =	vst.idx.msk $0xffff, v20  }
0xa4: {  	v20 =	vld [tilespmem:s15+$0x1D0]  }
0xa5: {  	v21 =	vld [tilespmem:s15+$0x1C0];
	_ =	sdelay $0x1  }
0xa6: {  	v22 =	vld [tilespmem:s15+$0x1E0];
	_ =	sdelay $0x1  }
0xa7: {  	v23 =	vld [tilespmem:s15+$0x1F0]  }
0xa8: {  	v21 =	vmul.f32 v21, v16;
	v20 =	vmul.f32 v20, v17;
	_ =	sdelay $0x1  }
0xa9: {  	v20 =	vadd.f32 v20, v21;
	v21 =	vmul.f32 v22, v18;
	_ =	sdelay $0x1  }
0xaa: {  	v20 =	vadd.f32 v21, v20;
	v21 =	vmul.f32 v23, v19;
	_ =	sdelay $0x1  }
0xab: {  	v20 =	vadd.f32 v21, v20;
	_ =	sdelay $0x1  }
0xac: {  	[tilespmem:v15+s12+$0x0] =	vst.idx.msk $0xffff, v20  }
0xad: {  	v20 =	vld [tilespmem:$0x8240]  }
0xae: {  	v21 =	vld [tilespmem:$0x8251]  }
0xaf: {  	v22 =	vld [tilespmem:$0x8262]  }
0xb0: {  	v27 =	vld [tilespmem:$0x8273]  }
0xb1: {  	v26 =	vld [tilespmem:$0x8284]  }
0xb2: {  	v25 =	vld [tilespmem:$0x8295]  }
0xb3: {  	v23 =	vld [tilespmem:$0x82A6];
	v20 =	vadd.f32 v21, v20  }
0xb4: {  	v24 =	vld [tilespmem:$0x82C8]  }
0xb5: {  	v21 =	vld [tilespmem:$0x82B7];
	v22 =	vadd.f32 v22, v20  }
0xb6: {  	v20 =	vld [tilespmem:$0x82D9]  }
0xb7: {  	s17 =	simm.s32 $0x40;
	s16 =	simm.s32 $0x0;
	v27 =	vadd.f32 v27, v22;
	v22 =	vld [tilespmem:$0x82EA]  }
.LBB2_2:
0xb8: {  	p0 =	sne.s32 s17, $0x7C0  }
0xb9: {  	v28 =	vld [tilespmem:$0x82FB];
	s15 =	sadd.s32 $0x400, s15;
	s18 =	smov.u32 s17;
	s17 =	sadd.s32 $0x40, s17  }
0xba: {  	v26 =	vadd.f32 v26, v27;
	v27 =	vld [tilespmem:$0x830C]  }
0xbb: {  	v29 =	vld [tilespmem:$0x831D]  }
0xbc: {  	v25 =	vadd.f32 v25, v26;
	v26 =	vld [tilespmem:$0x832E]  }
0xbd: {  	v30 =	vld [tilespmem:$0x833F]  }
0xbe: {  	v23 =	vadd.f32 v23, v25;
	_ =	sdelay $0x1  }
0xbf: {  	v21 =	vadd.f32 v21, v23;
	_ =	sdelay $0x1  }
0xc0: {  	v21 =	vadd.f32 v24, v21;
	_ =	sdelay $0x1  }
0xc1: {  	v20 =	vadd.f32 v20, v21;
	_ =	sdelay $0x1  }
0xc2: {  	v20 =	vadd.f32 v22, v20;
	_ =	sdelay $0x1  }
0xc3: {  	v20 =	vadd.f32 v28, v20;
	_ =	sdelay $0x1  }
0xc4: {  	v20 =	vadd.f32 v27, v20;
	_ =	sdelay $0x1  }
0xc5: {  	v20 =	vadd.f32 v29, v20;
	_ =	sdelay $0x1  }
0xc6: {  	v20 =	vadd.f32 v26, v20;
	_ =	sdelay $0x1  }
0xc7: {  	s19 =	sshra.s32 s16, $0x2;
	s16 =	smov.u32 s18;
	v20 =	vadd.f32 v30, v20;
	_ =	sdelay $0x1  }
0xc8: {  	[tilespmem:s19+$0x8350] =	vst v20  }
0xc9: {  	v20 =	vld [tilespmem:s15+$0xFFFFFE00]  }
0xca: {  	v21 =	vld [tilespmem:s15+$0xFFFFFE10]  }
0xcb: {  	v22 =	vld [tilespmem:s15+$0xFFFFFE30]  }
0xcc: {  	v23 =	vld [tilespmem:s15+$0xFFFFFE20];
	_ =	sdelay $0x1  }
0xcd: {  	v20 =	vmul.f32 v20, v16  }
0xce: {  	v21 =	vmul.f32 v21, v17  }
0xcf: {  	v22 =	vmul.f32 v22, v19  }
0xd0: {  	v20 =	vadd.f32 v21, v20;
	v21 =	vmul.f32 v23, v18;
	_ =	sdelay $0x1  }
0xd1: {  	v20 =	vadd.f32 v21, v20;
	_ =	sdelay $0x1  }
0xd2: {  	v20 =	vadd.f32 v22, v20;
	_ =	sdelay $0x1  }
0xd3: {  	[tilespmem:v0+s12+$0x0] =	vst.idx.msk $0xffff, v20  }
0xd4: {  	v20 =	vld [tilespmem:s15+$0xFFFFFE40]  }
0xd5: {  	v21 =	vld [tilespmem:s15+$0xFFFFFE50];
	_ =	sdelay $0x1  }
0xd6: {  	v22 =	vld [tilespmem:s15+$0xFFFFFE60];
	_ =	sdelay $0x1  }
0xd7: {  	v23 =	vld [tilespmem:s15+$0xFFFFFE70]  }
0xd8: {  	v20 =	vmul.f32 v20, v16;
	v21 =	vmul.f32 v21, v17;
	_ =	sdelay $0x1  }
0xd9: {  	v20 =	vadd.f32 v21, v20;
	v21 =	vmul.f32 v22, v18;
	_ =	sdelay $0x1  }
0xda: {  	v20 =	vadd.f32 v21, v20;
	v21 =	vmul.f32 v23, v19;
	_ =	sdelay $0x1  }
0xdb: {  	v20 =	vadd.f32 v21, v20;
	_ =	sdelay $0x1  }
0xdc: {  	[tilespmem:v1+s12+$0x0] =	vst.idx.msk $0xffff, v20  }
0xdd: {  	v20 =	vld [tilespmem:s15+$0xFFFFFE80]  }
0xde: {  	v21 =	vld [tilespmem:s15+$0xFFFFFE90];
	_ =	sdelay $0x1  }
0xdf: {  	v22 =	vld [tilespmem:s15+$0xFFFFFEA0];
	_ =	sdelay $0x1  }
0xe0: {  	v20 =	vmul.f32 v20, v16;
	v23 =	vld [tilespmem:s15+$0xFFFFFEB0]  }
0xe1: {  	v21 =	vmul.f32 v21, v17;
	_ =	sdelay $0x1  }
0xe2: {  	v20 =	vadd.f32 v21, v20;
	v21 =	vmul.f32 v22, v18;
	_ =	sdelay $0x1  }
0xe3: {  	v20 =	vadd.f32 v21, v20;
	v21 =	vmul.f32 v23, v19;
	_ =	sdelay $0x1  }
0xe4: {  	v20 =	vadd.f32 v21, v20;
	_ =	sdelay $0x1  }
0xe5: {  	[tilespmem:v2+s12+$0x0] =	vst.idx.msk $0xffff, v20  }
0xe6: {  	v20 =	vld [tilespmem:s15+$0xFFFFFEC0]  }
0xe7: {  	v21 =	vld [tilespmem:s15+$0xFFFFFED0];
	_ =	sdelay $0x1  }
0xe8: {  	v22 =	vld [tilespmem:s15+$0xFFFFFEE0];
	_ =	sdelay $0x1  }
0xe9: {  	v23 =	vld [tilespmem:s15+$0xFFFFFEF0]  }
0xea: {  	v20 =	vmul.f32 v20, v16;
	v21 =	vmul.f32 v21, v17;
	_ =	sdelay $0x1  }
0xeb: {  	v20 =	vadd.f32 v21, v20;
	v21 =	vmul.f32 v22, v18;
	_ =	sdelay $0x1  }
0xec: {  	v20 =	vadd.f32 v21, v20;
	v21 =	vmul.f32 v23, v19;
	_ =	sdelay $0x1  }
0xed: {  	v20 =	vadd.f32 v21, v20;
	_ =	sdelay $0x1  }
0xee: {  	[tilespmem:v3+s12+$0x0] =	vst.idx.msk $0xffff, v20  }
0xef: {  	v20 =	vld [tilespmem:s15+$0xFFFFFF00]  }
0xf0: {  	v21 =	vld [tilespmem:s15+$0xFFFFFF10]  }
0xf1: {  	v22 =	vld [tilespmem:s15+$0xFFFFFF20]  }
0xf2: {  	v23 =	vld [tilespmem:s15+$0xFFFFFF30];
	_ =	sdelay $0x1  }
0xf3: {  	v20 =	vmul.f32 v20, v16  }
0xf4: {  	v21 =	vmul.f32 v21, v17;
	_ =	sdelay $0x1  }
0xf5: {  	v20 =	vadd.f32 v21, v20;
	v21 =	vmul.f32 v22, v18;
	_ =	sdelay $0x1  }
0xf6: {  	v20 =	vadd.f32 v21, v20;
	v21 =	vmul.f32 v23, v19;
	_ =	sdelay $0x1  }
0xf7: {  	v20 =	vadd.f32 v21, v20;
	_ =	sdelay $0x1  }
0xf8: {  	[tilespmem:v4+s12+$0x0] =	vst.idx.msk $0xffff, v20  }
0xf9: {  	v20 =	vld [tilespmem:s15+$0xFFFFFF40]  }
0xfa: {  	v21 =	vld [tilespmem:s15+$0xFFFFFF50]  }
0xfb: {  	v22 =	vld [tilespmem:s15+$0xFFFFFF60]  }
0xfc: {  	v23 =	vld [tilespmem:s15+$0xFFFFFF70];
	_ =	sdelay $0x1  }
0xfd: {  	v20 =	vmul.f32 v20, v16  }
0xfe: {  	v21 =	vmul.f32 v21, v17;
	_ =	sdelay $0x1  }
0xff: {  	v20 =	vadd.f32 v21, v20;
	v21 =	vmul.f32 v22, v18;
	_ =	sdelay $0x1  }
0x100: {  	v20 =	vadd.f32 v21, v20;
	v21 =	vmul.f32 v23, v19;
	_ =	sdelay $0x1  }
0x101: {  	v20 =	vadd.f32 v21, v20;
	_ =	sdelay $0x1  }
0x102: {  	[tilespmem:v5+s12+$0x0] =	vst.idx.msk $0xffff, v20  }
0x103: {  	v20 =	vld [tilespmem:s15+$0xFFFFFF80]  }
0x104: {  	v21 =	vld [tilespmem:s15+$0xFFFFFF90]  }
0x105: {  	v22 =	vld [tilespmem:s15+$0xFFFFFFA0]  }
0x106: {  	v23 =	vld [tilespmem:s15+$0xFFFFFFB0];
	_ =	sdelay $0x1  }
0x107: {  	v20 =	vmul.f32 v20, v16  }
0x108: {  	v21 =	vmul.f32 v21, v17;
	_ =	sdelay $0x1  }
0x109: {  	v20 =	vadd.f32 v21, v20;
	v21 =	vmul.f32 v22, v18;
	_ =	sdelay $0x1  }
0x10a: {  	v20 =	vadd.f32 v21, v20;
	v21 =	vmul.f32 v23, v19;
	_ =	sdelay $0x1  }
0x10b: {  	v20 =	vadd.f32 v21, v20;
	_ =	sdelay $0x1  }
0x10c: {  	[tilespmem:v6+s12+$0x0] =	vst.idx.msk $0xffff, v20  }
0x10d: {  	v20 =	vld [tilespmem:s15+$0xFFFFFFC0]  }
0x10e: {  	v21 =	vld [tilespmem:s15+$0xFFFFFFD0]  }
0x10f: {  	v22 =	vld [tilespmem:s15+$0xFFFFFFE0]  }
0x110: {  	v23 =	vld [tilespmem:s15+$0xFFFFFFF0];
	_ =	sdelay $0x2  }
0x111: {  	v20 =	vmul.f32 v20, v16;
	v21 =	vmul.f32 v21, v17;
	_ =	sdelay $0x1  }
0x112: {  	v20 =	vadd.f32 v21, v20;
	v21 =	vmul.f32 v22, v18;
	_ =	sdelay $0x1  }
0x113: {  	v20 =	vadd.f32 v21, v20;
	v21 =	vmul.f32 v23, v19;
	_ =	sdelay $0x1  }
0x114: {  	v20 =	vadd.f32 v21, v20;
	_ =	sdelay $0x1  }
0x115: {  	[tilespmem:v7+s12+$0x0] =	vst.idx.msk $0xffff, v20  }
0x116: {  	v20 =	vld [tilespmem:s15+$0x0]  }
0x117: {  	v21 =	vld [tilespmem:s15+$0x10]  }
0x118: {  	v22 =	vld [tilespmem:s15+$0x20]  }
0x119: {  	v23 =	vld [tilespmem:s15+$0x30];
	_ =	sdelay $0x1  }
0x11a: {  	v20 =	vmul.f32 v20, v16  }
0x11b: {  	v21 =	vmul.f32 v21, v17;
	_ =	sdelay $0x1  }
0x11c: {  	v20 =	vadd.f32 v21, v20;
	v21 =	vmul.f32 v22, v18;
	_ =	sdelay $0x1  }
0x11d: {  	v20 =	vadd.f32 v21, v20;
	v21 =	vmul.f32 v23, v19;
	_ =	sdelay $0x1  }
0x11e: {  	v20 =	vadd.f32 v21, v20;
	_ =	sdelay $0x1  }
0x11f: {  	[tilespmem:v8+s12+$0x0] =	vst.idx.msk $0xffff, v20  }
0x120: {  	v20 =	vld [tilespmem:s15+$0x40]  }
0x121: {  	v21 =	vld [tilespmem:s15+$0x50]  }
0x122: {  	v22 =	vld [tilespmem:s15+$0x60]  }
0x123: {  	v23 =	vld [tilespmem:s15+$0x70];
	_ =	sdelay $0x2  }
0x124: {  	v20 =	vmul.f32 v20, v16;
	v21 =	vmul.f32 v21, v17;
	_ =	sdelay $0x1  }
0x125: {  	v20 =	vadd.f32 v21, v20;
	v21 =	vmul.f32 v22, v18;
	_ =	sdelay $0x1  }
0x126: {  	v20 =	vadd.f32 v21, v20;
	v21 =	vmul.f32 v23, v19;
	_ =	sdelay $0x1  }
0x127: {  	v20 =	vadd.f32 v21, v20;
	_ =	sdelay $0x1  }
0x128: {  	[tilespmem:v9+s12+$0x0] =	vst.idx.msk $0xffff, v20  }
0x129: {  	v20 =	vld [tilespmem:s15+$0x80]  }
0x12a: {  	v21 =	vld [tilespmem:s15+$0x90]  }
0x12b: {  	v22 =	vld [tilespmem:s15+$0xA0]  }
0x12c: {  	v23 =	vld [tilespmem:s15+$0xB0];
	_ =	sdelay $0x2  }
0x12d: {  	v20 =	vmul.f32 v20, v16;
	v21 =	vmul.f32 v21, v17;
	_ =	sdelay $0x1  }
0x12e: {  	v20 =	vadd.f32 v21, v20;
	v21 =	vmul.f32 v22, v18;
	_ =	sdelay $0x1  }
0x12f: {  	v20 =	vadd.f32 v21, v20;
	v21 =	vmul.f32 v23, v19;
	_ =	sdelay $0x1  }
0x130: {  	v20 =	vadd.f32 v21, v20;
	_ =	sdelay $0x1  }
0x131: {  	[tilespmem:v10+s12+$0x0] =	vst.idx.msk $0xffff, v20  }
0x132: {  	v20 =	vld [tilespmem:s15+$0xC0]  }
0x133: {  	v21 =	vld [tilespmem:s15+$0xD0]  }
0x134: {  	v22 =	vld [tilespmem:s15+$0xE0]  }
0x135: {  	v23 =	vld [tilespmem:s15+$0xF0];
	_ =	sdelay $0x1  }
0x136: {  	v20 =	vmul.f32 v20, v16  }
0x137: {  	v21 =	vmul.f32 v21, v17;
	_ =	sdelay $0x1  }
0x138: {  	v20 =	vadd.f32 v21, v20;
	v21 =	vmul.f32 v22, v18;
	_ =	sdelay $0x1  }
0x139: {  	v20 =	vadd.f32 v21, v20;
	v21 =	vmul.f32 v23, v19;
	_ =	sdelay $0x1  }
0x13a: {  	v20 =	vadd.f32 v21, v20;
	_ =	sdelay $0x1  }
0x13b: {  	[tilespmem:v11+s12+$0x0] =	vst.idx.msk $0xffff, v20  }
0x13c: {  	v20 =	vld [tilespmem:s15+$0x100]  }
0x13d: {  	v21 =	vld [tilespmem:s15+$0x110]  }
0x13e: {  	v22 =	vld [tilespmem:s15+$0x120]  }
0x13f: {  	v23 =	vld [tilespmem:s15+$0x130];
	_ =	sdelay $0x2  }
0x140: {  	v20 =	vmul.f32 v20, v16;
	v21 =	vmul.f32 v21, v17;
	_ =	sdelay $0x1  }
0x141: {  	v20 =	vadd.f32 v21, v20;
	v21 =	vmul.f32 v22, v18;
	_ =	sdelay $0x1  }
0x142: {  	v20 =	vadd.f32 v21, v20;
	v21 =	vmul.f32 v23, v19;
	_ =	sdelay $0x1  }
0x143: {  	v20 =	vadd.f32 v21, v20;
	_ =	sdelay $0x1  }
0x144: {  	[tilespmem:v12+s12+$0x0] =	vst.idx.msk $0xffff, v20  }
0x145: {  	v20 =	vld [tilespmem:s15+$0x140]  }
0x146: {  	v21 =	vld [tilespmem:s15+$0x150]  }
0x147: {  	v22 =	vld [tilespmem:s15+$0x160]  }
0x148: {  	v23 =	vld [tilespmem:s15+$0x170];
	_ =	sdelay $0x1  }
0x149: {  	v20 =	vmul.f32 v20, v16  }
0x14a: {  	v21 =	vmul.f32 v21, v17;
	_ =	sdelay $0x1  }
0x14b: {  	v20 =	vadd.f32 v21, v20;
	v21 =	vmul.f32 v22, v18;
	_ =	sdelay $0x1  }
0x14c: {  	v20 =	vadd.f32 v21, v20;
	v21 =	vmul.f32 v23, v19;
	_ =	sdelay $0x1  }
0x14d: {  	v20 =	vadd.f32 v21, v20;
	_ =	sdelay $0x1  }
0x14e: {  	[tilespmem:v13+s12+$0x0] =	vst.idx.msk $0xffff, v20  }
0x14f: {  	v20 =	vld [tilespmem:s15+$0x180]  }
0x150: {  	v21 =	vld [tilespmem:s15+$0x190]  }
0x151: {  	v22 =	vld [tilespmem:s15+$0x1A0]  }
0x152: {  	v23 =	vld [tilespmem:s15+$0x1B0];
	_ =	sdelay $0x1  }
0x153: {  	v20 =	vmul.f32 v20, v16  }
0x154: {  	v21 =	vmul.f32 v21, v17;
	_ =	sdelay $0x1  }
0x155: {  	v20 =	vadd.f32 v21, v20;
	v21 =	vmul.f32 v22, v18;
	_ =	sdelay $0x1  }
0x156: {  	v20 =	vadd.f32 v21, v20;
	v21 =	vmul.f32 v23, v19;
	_ =	sdelay $0x1  }
0x157: {  	v20 =	vadd.f32 v21, v20;
	_ =	sdelay $0x1  }
0x158: {  	[tilespmem:v14+s12+$0x0] =	vst.idx.msk $0xffff, v20  }
0x159: {  	v20 =	vld [tilespmem:s15+$0x1D0]  }
0x15a: {  	v21 =	vld [tilespmem:s15+$0x1C0]  }
0x15b: {  	v22 =	vld [tilespmem:s15+$0x1E0]  }
0x15c: {  	v23 =	vld [tilespmem:s15+$0x1F0];
	_ =	sdelay $0x2  }
0x15d: {  	v20 =	vmul.f32 v20, v17;
	v21 =	vmul.f32 v21, v16;
	_ =	sdelay $0x1  }
0x15e: {  	v20 =	vadd.f32 v20, v21;
	v21 =	vmul.f32 v22, v18;
	_ =	sdelay $0x1  }
0x15f: {  	v20 =	vadd.f32 v21, v20;
	v21 =	vmul.f32 v23, v19;
	_ =	sdelay $0x1  }
0x160: {  	v20 =	vadd.f32 v21, v20;
	_ =	sdelay $0x1  }
0x161: {  	[tilespmem:v15+s12+$0x0] =	vst.idx.msk $0xffff, v20  }
0x162: {  	v20 =	vld [tilespmem:$0x8240]  }
0x163: {  	v21 =	vld [tilespmem:$0x8251]  }
0x164: {  	v22 =	vld [tilespmem:$0x8262]  }
0x165: {  	v27 =	vld [tilespmem:$0x8273]  }
0x166: {  	v26 =	vld [tilespmem:$0x8284]  }
0x167: {  	v25 =	vld [tilespmem:$0x8295]  }
.Ltmp0:
0x168: {  	v20 =	vadd.f32 v21, v20;
	v23 =	vld [tilespmem:$0x82A6];
	(pc) =	sbr.rel @p0 .LBB2_2-.Ltmp0, $4  }
0x169: {  	v21 =	vld [tilespmem:$0x82B7]  }
0x16a: {  	v22 =	vadd.f32 v22, v20;
	v24 =	vld [tilespmem:$0x82C8]  }
0x16b: {  	v20 =	vld [tilespmem:$0x82D9]  }
0x16c: {  	v27 =	vadd.f32 v27, v22;
	v22 =	vld [tilespmem:$0x82EA]  }
0x16d: {  	_ = 	snop  }
0x16e: {  	v16 =	vadd.f32 v26, v27;
	_ =	sdelay $0x1  }
0x16f: {  	v16 =	vadd.f32 v25, v16;
	_ =	sdelay $0x1  }
0x170: {  	v16 =	vadd.f32 v23, v16;
	_ =	sdelay $0x1  }
0x171: {  	v16 =	vadd.f32 v21, v16;
	_ =	sdelay $0x1  }
0x172: {  	v16 =	vadd.f32 v24, v16  }
0x173: {  	v17 =	vld [tilespmem:$0x82FB]  }
0x174: {  	v16 =	vadd.f32 v20, v16  }
0x175: {  	v18 =	vld [tilespmem:$0x830C]  }
0x176: {  	v16 =	vadd.f32 v22, v16  }
0x177: {  	v19 =	vld [tilespmem:$0x831D]  }
0x178: {  	v16 =	vadd.f32 v17, v16  }
0x179: {  	v17 =	vld [tilespmem:$0x832E]  }
0x17a: {  	v16 =	vadd.f32 v18, v16  }
0x17b: {  	v63 =	vld [tilespmem:$0x833F]  }
0x17c: {  	v16 =	vadd.f32 v19, v16;
	_ =	sdelay $0x1  }
0x17d: {  	v16 =	vadd.f32 v17, v16;
	_ =	sdelay $0x1  }
0x17e: {  	s14 =	sadd.s32 $0x1, s14;
	v16 =	vadd.f32 v63, v16  }
0x17f: {  	s15 =	sshra.s32 s16, $0x2;
	p0 =	sne.s32 s14, s7  }
.Ltmp1:
0x180: {  	[tilespmem:s15+$0x8350] =	vst v16;
	(pc) =	sbr.rel @p0 .LBB2_1-.Ltmp1, $4  }
0x181: {  	[hbm4b:s6+s3] =	stream.linear.scatter [tilespmem:s13], [sflag:$0x2], $0x200, $0x38;
	[tilespmem:$0x8550] =	vst v63  }
0x182: {  	_ =	swait.ge [sflag:s8], $0x200  }
0x183: {  	[sflag:s8] =	ssyncset.done $0x0  }
0x184: {  	[sflag:s8] =	ssyncadd.s32 $0xFFFFFE00  }
0x185: {  	_ =	sfence.sel $0x180000  }
0x186: {  	[bflag:$0x0] =	sbarrier.arrive $0xFFFF  }
0x187: {  	p0 =	sne.s32 s2, $0x0;
	_ =	strace $0x90000047  }
0x188: {  	s0 =	sadd.s32 @!p0 $0x100000, s0;
	[bflag:$0x2] =	sbarrier.arrive $0xFFFF  }
0x189: {  	[sflag:s0] =	ssyncadd.tile.s32 @!p0 $0x1;
	_ =	shalt  }
.Lfunc_end2:
_tile_overlayer_lowered:
.L_overlay_start_2:
0x18a: {  	(tag) =	ssettag $0x2  }
0x18b: {  	s0 =	rddreg [dreg:$0x0];
	s2 =	stileid.u32  }
0x18c: {  	s1 =	rddreg [dreg:$0x1];
	p0 =	sne.s32 s2, $0x0  }
0x18d: {  	s3 =	rddreg [dreg:$0x2];
	[bflag:$0x3] =	sbarrier.arrive $0xFFFF;
	s2 =	simm.s32 @!p0 $0x1C02  }
0x18e: {  	[timem:s3], [sflag:s2] =	dma.local @!p0 [hbm:s0], s1  }
0x18f: {  	s0 =	simm.s32 @!p0 $0x2  }
0x190: {  	_ =	swait.ge @!p0 [sflag:s0], s1  }
0x191: {  	s1 =	ssub.s32 @!p0 $0x0, s1;
	[sflag:s0] =	ssyncset.done @!p0 $0x0  }
0x192: {  	[sflag:s0] =	ssyncadd.s32 @!p0 s1  }
0x193: {  	[bflag:$0x3] =	sbarrier.arrive $0xFFFF  }
0x194: {  	_ =	shalt  }

</sc_bundles>
